<compile_context>
chip_gen: v7x
topology: tpu7x:2x2x1
jax: 0.10.2.dev20260603
libtpu: 0.0.44.dev20260713+nightly
codegen_flags: <defaults>
</compile_context>

<pallas_src>
import functools

import jax
import jax.numpy as jnp
from jax import lax
from jax.experimental import pallas as pl
from jax.experimental.pallas import tpu as pltpu
from jax.experimental.pallas import tpu_sc as plsc

BLK = 128
DEPTH = 7
NTR = 5


@functools.partial(jax.jit, static_argnums=(2, 3))
def _lookup(idx2, table, n_units, num_cores):
    V, D = table.shape
    S = 200
    NBT = 32
    per_w = n_units // 32
    mesh = plsc.VectorSubcoreMesh(core_axis_name="c", subcore_axis_name="s")

    @functools.partial(
        pl.kernel,
        mesh=mesh,
        compiler_params=pltpu.CompilerParams(
            use_tc_tiling_on_sc=False, needs_layout_passes=False),
        out_type=jax.ShapeDtypeStruct((S, 8, NBT, 8, BLK), jnp.float32),
        scratch_types=[
            pltpu.VMEM((per_w, BLK), jnp.int32),
            pltpu.VMEM((DEPTH, BLK, D), jnp.float32),
            pltpu.VMEM((NTR, 8, 8, BLK + 1), jnp.float32),
            pltpu.SemaphoreType.DMA,
            pltpu.SemaphoreType.DMA,
        ],
    )
    def k(idx_hbm, table_hbm, out_hbm, idx_v, rows_v, tr_v, gsem, wsem):
        wid = lax.axis_index("s") * num_cores + lax.axis_index("c")
        u0 = wid * per_w
        pltpu.sync_copy(idx_hbm.at[pl.ds(u0, per_w)], idx_v)

        def g_start(j, b):
            pltpu.make_async_copy(
                table_hbm.at[idx_v.at[j]], rows_v.at[b], gsem).start()

        def g_wait(b):
            pltpu.make_async_copy(
                table_hbm.at[idx_v.at[0]], rows_v.at[b], gsem).wait()

        def w_start(j, t):
            u = u0 + j
            s = u // NBT
            bt = u % NBT
            pltpu.make_async_copy(
                tr_v.at[t, :, :, pl.ds(0, BLK)], out_hbm.at[s, :, bt],
                wsem).start()

        def w_wait(t):
            pltpu.make_async_copy(
                tr_v.at[t, :, :, pl.ds(0, BLK)], out_hbm.at[0, :, 0],
                wsem).wait()

        def transpose(b, t):
            rv = rows_v.at[b]
            tv = tr_v.at[t]
            iota = jax.lax.broadcasted_iota(jnp.int32, (16,), 0)
            ets = [(iota + 16 * ge) >> 3 for ge in range(D // 16)]
            eis = [(iota + 16 * ge) & 7 for ge in range(D // 16)]

            def brow(j):
                col = jnp.full((16,), j, jnp.int32)
                vs = [rv[j, pl.ds(16 * ge, 16)] for ge in range(D // 16)]
                for ge in range(D // 16):
                    plsc.store_scatter(tv, [ets[ge], eis[ge], col], vs[ge])

            plsc.parallel_loop(0, BLK, 1, unroll=4)(brow)

        for b in range(DEPTH):
            g_start(b, b)

        def unit(j, carry):
            b = j % DEPTH
            t = j % NTR
            g_wait(b)

            @pl.when(j >= NTR)
            def _():
                w_wait(t)

            transpose(b, t)

            @pl.when(j + DEPTH < per_w)
            def _():
                g_start(j + DEPTH, b)

            w_start(j, t)
            return carry

        lax.fori_loop(0, per_w, unit, 0)
        for t in range(NTR):
            w_wait(t)

    return k(idx2, table)


def kernel(batch, word_embeddings):
    B0, B1 = batch.shape
    D = word_embeddings.shape[1]
    info = plsc.get_sparse_core_info()
    n_units = B1 * (B0 // BLK)
    idx2 = batch.astype(jnp.int32).T.reshape(n_units, BLK)
    out5 = _lookup(idx2, word_embeddings, n_units, info.num_cores)
    out3 = out5.transpose(0, 1, 3, 2, 4).reshape(B1, D, B0)
    return out3.transpose(2, 0, 1)

# --- scband reference (transcript-rebuilt; emitter-appended) ---
"""Pipeline reference for scband-lookup-encoder-6193342841604 (READ-ONLY COPY).

The authoritative reference and input builder live on the scoring server;
editing this copy changes nothing except your own understanding.
"""

import jax, jax.numpy as jnp
import numpy as np

VOCAB = 1000000
EMBED_DIM = 64

def setup_inputs(seed: int = 0) -> dict:
    key = jax.random.key(seed)
    k1, k2 = jax.random.split(key)
    batch = jax.random.randint(k1, (4096, 200), 0, VOCAB, dtype=jnp.int64) if jax.config.jax_enable_x64 else jax.random.randint(k1, (4096, 200), 0, VOCAB, dtype=jnp.int32)
    word_embeddings = jax.random.normal(k2, (VOCAB, EMBED_DIM), dtype=jnp.float32)
    return {"batch": batch, "word_embeddings": word_embeddings}

def reference(batch, word_embeddings):
    # nn.Embedding lookup: gather rows of the table by index
    return jnp.take(word_embeddings, batch, axis=0)

if __name__ == "__main__":
    import jax
    _d = setup_inputs()
    print(jax.jit(kernel)(*tuple(_d.values())))

</pallas_src>

<mosaic_0001>
#map = affine_map<(d0, d1) -> (0, 0)>
#map1 = affine_map<(d0, d1) -> (0, 0, 0, 0, 0)>
module attributes {stable_mosaic.version = 14 : i64} {
  func.func @k(%arg0: i32, %arg1: i32, %arg2: memref<6400x128xi32, #tpu.memory_space<hbm>>, %arg3: memref<1000000x64xf32, #tpu.memory_space<hbm>>, %arg4: memref<200x8x32x8x128xf32, #tpu.memory_space<hbm>>, %arg5: memref<200x128xi32, #tpu.memory_space<vmem>>, %arg6: memref<7x128x64xf32, #tpu.memory_space<vmem>>, %arg7: memref<5x8x8x129xf32, #tpu.memory_space<vmem>>, %arg8: memref<!tpu.dma_semaphore, #tpu.memory_space<semaphore_mem>>, %arg9: memref<!tpu.dma_semaphore, #tpu.memory_space<semaphore_mem>>) attributes {dimension_semantics = [#tpu.dimension_semantics<core_parallel>, #tpu.dimension_semantics<subcore_parallel>], iteration_bounds = array<i64: 2, 16>, scalar_prefetch = 0 : i64, scratch_operands = 5 : i64, tpu.core_type = #tpu.core_type<sc_vector_subcore>, window_params = [{transform_indices = #map}, {transform_indices = #map}, {transform_indices = #map1}]} {
    %mul3A = arith.constant 2 : i32
    %mul3A_0 = arith.muli %arg1, %mul3A : i32
    %add3A = arith.addi %mul3A_0, %arg0 : i32
    %mul3A_1 = arith.constant 200 : i32
    %mul3A_2 = arith.muli %add3A, %mul3A_1 : i32
    "tpu.region"() ({
      %run_scoped3A = tpu.sem_alloc : memref<!tpu.dma_semaphore, #tpu.memory_space<semaphore_mem>>
      %dma_start3A_205 = arith.constant 0 : i32
      %dma_start3A_206 = tpu.memref_slice %arg2[%mul3A_2, %dma_start3A_205] : memref<6400x128xi32, #tpu.memory_space<hbm>> -> memref<200x128xi32, #tpu.memory_space<hbm>>
      %dma_start3A_207 = arith.constant 0 : i32
      %dma_start3A_208 = tpu.memref_slice %arg2[%mul3A_2, %dma_start3A_207] : memref<6400x128xi32, #tpu.memory_space<hbm>> -> memref<200x128xi32, #tpu.memory_space<hbm>>
      tpu.enqueue_dma source(%dma_start3A_208 : memref<200x128xi32, #tpu.memory_space<hbm>>) target(%arg5 : memref<200x128xi32, #tpu.memory_space<vmem>>) target_semaphore(%run_scoped3A : memref<!tpu.dma_semaphore, #tpu.memory_space<semaphore_mem>>)
      %dma_wait3A_209 = arith.constant 0 : i32
      %dma_wait3A_210 = tpu.memref_slice %arg2[%mul3A_2, %dma_wait3A_209] : memref<6400x128xi32, #tpu.memory_space<hbm>> -> memref<200x128xi32, #tpu.memory_space<hbm>>
      %dma_wait3A_211 = arith.constant 0 : i32
      %dma_wait3A_212 = tpu.memref_slice %arg2[%mul3A_2, %dma_wait3A_211] : memref<6400x128xi32, #tpu.memory_space<hbm>> -> memref<200x128xi32, #tpu.memory_space<hbm>>
      tpu.wait_dma2 semaphore(%run_scoped3A : memref<!tpu.dma_semaphore, #tpu.memory_space<semaphore_mem>>) src(%dma_wait3A_212 : memref<200x128xi32, #tpu.memory_space<hbm>>) dst(%arg5 : memref<200x128xi32, #tpu.memory_space<vmem>>)
      tpu.yield
    }) : () -> ()
    %dma_start3A = arith.constant 0 : i32
    %dma_start3A_3 = arith.constant 0 : i32
    %dma_start3A_4 = arith.constant 0 : i32
    %dma_start3A_5 = arith.constant 0 : i32
    %dma_start3A_6 = tpu.memref_slice %arg6[%dma_start3A_3, %dma_start3A_4, %dma_start3A_5] : memref<7x128x64xf32, #tpu.memory_space<vmem>> -> memref<1x128x64xf32, #tpu.memory_space<vmem>>
    %dma_start3A_7 = tpu.memref_squeeze %dma_start3A_6 : memref<1x128x64xf32, #tpu.memory_space<vmem>> -> memref<128x64xf32, #tpu.memory_space<vmem>>
    %dma_start3A_8 = arith.constant 0 : i32
    %dma_start3A_9 = tpu.memref_slice %arg5[%dma_start3A, %dma_start3A_8] : memref<200x128xi32, #tpu.memory_space<vmem>> -> memref<1x128xi32, #tpu.memory_space<vmem>>
    %dma_start3A_10 = tpu.memref_squeeze %dma_start3A_9 : memref<1x128xi32, #tpu.memory_space<vmem>> -> memref<128xi32, #tpu.memory_space<vmem>>
    %dma_start3A_11 = arith.constant 0 : i32
    %dma_start3A_12 = arith.constant 0 : i32
    %dma_start3A_13 = tpu.memref_slice %arg3[%dma_start3A_11, %dma_start3A_12] : memref<1000000x64xf32, #tpu.memory_space<hbm>> -> memref<1000000x64xf32, #tpu.memory_space<hbm>>
    tpu.enqueue_indirect_dma source(%dma_start3A_13 : memref<1000000x64xf32, #tpu.memory_space<hbm>>) target(%dma_start3A_7 : memref<128x64xf32, #tpu.memory_space<vmem>>) offsets(%dma_start3A_10 : memref<128xi32, #tpu.memory_space<vmem>>) semaphore(%arg8 : memref<!tpu.dma_semaphore, #tpu.memory_space<semaphore_mem>>)
    %dma_start3A_14 = arith.constant 1 : i32
    %dma_start3A_15 = arith.constant 1 : i32
    %dma_start3A_16 = arith.constant 0 : i32
    %dma_start3A_17 = arith.constant 0 : i32
    %dma_start3A_18 = tpu.memref_slice %arg6[%dma_start3A_15, %dma_start3A_16, %dma_start3A_17] : memref<7x128x64xf32, #tpu.memory_space<vmem>> -> memref<1x128x64xf32, #tpu.memory_space<vmem>>
    %dma_start3A_19 = tpu.memref_squeeze %dma_start3A_18 : memref<1x128x64xf32, #tpu.memory_space<vmem>> -> memref<128x64xf32, #tpu.memory_space<vmem>>
    %dma_start3A_20 = arith.constant 0 : i32
    %dma_start3A_21 = tpu.memref_slice %arg5[%dma_start3A_14, %dma_start3A_20] : memref<200x128xi32, #tpu.memory_space<vmem>> -> memref<1x128xi32, #tpu.memory_space<vmem>>
    %dma_start3A_22 = tpu.memref_squeeze %dma_start3A_21 : memref<1x128xi32, #tpu.memory_space<vmem>> -> memref<128xi32, #tpu.memory_space<vmem>>
    %dma_start3A_23 = arith.constant 0 : i32
    %dma_start3A_24 = arith.constant 0 : i32
    %dma_start3A_25 = tpu.memref_slice %arg3[%dma_start3A_23, %dma_start3A_24] : memref<1000000x64xf32, #tpu.memory_space<hbm>> -> memref<1000000x64xf32, #tpu.memory_space<hbm>>
    tpu.enqueue_indirect_dma source(%dma_start3A_25 : memref<1000000x64xf32, #tpu.memory_space<hbm>>) target(%dma_start3A_19 : memref<128x64xf32, #tpu.memory_space<vmem>>) offsets(%dma_start3A_22 : memref<128xi32, #tpu.memory_space<vmem>>) semaphore(%arg8 : memref<!tpu.dma_semaphore, #tpu.memory_space<semaphore_mem>>)
    %dma_start3A_26 = arith.constant 2 : i32
    %dma_start3A_27 = arith.constant 2 : i32
    %dma_start3A_28 = arith.constant 0 : i32
    %dma_start3A_29 = arith.constant 0 : i32
    %dma_start3A_30 = tpu.memref_slice %arg6[%dma_start3A_27, %dma_start3A_28, %dma_start3A_29] : memref<7x128x64xf32, #tpu.memory_space<vmem>> -> memref<1x128x64xf32, #tpu.memory_space<vmem>>
    %dma_start3A_31 = tpu.memref_squeeze %dma_start3A_30 : memref<1x128x64xf32, #tpu.memory_space<vmem>> -> memref<128x64xf32, #tpu.memory_space<vmem>>
    %dma_start3A_32 = arith.constant 0 : i32
    %dma_start3A_33 = tpu.memref_slice %arg5[%dma_start3A_26, %dma_start3A_32] : memref<200x128xi32, #tpu.memory_space<vmem>> -> memref<1x128xi32, #tpu.memory_space<vmem>>
    %dma_start3A_34 = tpu.memref_squeeze %dma_start3A_33 : memref<1x128xi32, #tpu.memory_space<vmem>> -> memref<128xi32, #tpu.memory_space<vmem>>
    %dma_start3A_35 = arith.constant 0 : i32
    %dma_start3A_36 = arith.constant 0 : i32
    %dma_start3A_37 = tpu.memref_slice %arg3[%dma_start3A_35, %dma_start3A_36] : memref<1000000x64xf32, #tpu.memory_space<hbm>> -> memref<1000000x64xf32, #tpu.memory_space<hbm>>
    tpu.enqueue_indirect_dma source(%dma_start3A_37 : memref<1000000x64xf32, #tpu.memory_space<hbm>>) target(%dma_start3A_31 : memref<128x64xf32, #tpu.memory_space<vmem>>) offsets(%dma_start3A_34 : memref<128xi32, #tpu.memory_space<vmem>>) semaphore(%arg8 : memref<!tpu.dma_semaphore, #tpu.memory_space<semaphore_mem>>)
    %dma_start3A_38 = arith.constant 3 : i32
    %dma_start3A_39 = arith.constant 3 : i32
    %dma_start3A_40 = arith.constant 0 : i32
    %dma_start3A_41 = arith.constant 0 : i32
    %dma_start3A_42 = tpu.memref_slice %arg6[%dma_start3A_39, %dma_start3A_40, %dma_start3A_41] : memref<7x128x64xf32, #tpu.memory_space<vmem>> -> memref<1x128x64xf32, #tpu.memory_space<vmem>>
    %dma_start3A_43 = tpu.memref_squeeze %dma_start3A_42 : memref<1x128x64xf32, #tpu.memory_space<vmem>> -> memref<128x64xf32, #tpu.memory_space<vmem>>
    %dma_start3A_44 = arith.constant 0 : i32
    %dma_start3A_45 = tpu.memref_slice %arg5[%dma_start3A_38, %dma_start3A_44] : memref<200x128xi32, #tpu.memory_space<vmem>> -> memref<1x128xi32, #tpu.memory_space<vmem>>
    %dma_start3A_46 = tpu.memref_squeeze %dma_start3A_45 : memref<1x128xi32, #tpu.memory_space<vmem>> -> memref<128xi32, #tpu.memory_space<vmem>>
    %dma_start3A_47 = arith.constant 0 : i32
    %dma_start3A_48 = arith.constant 0 : i32
    %dma_start3A_49 = tpu.memref_slice %arg3[%dma_start3A_47, %dma_start3A_48] : memref<1000000x64xf32, #tpu.memory_space<hbm>> -> memref<1000000x64xf32, #tpu.memory_space<hbm>>
    tpu.enqueue_indirect_dma source(%dma_start3A_49 : memref<1000000x64xf32, #tpu.memory_space<hbm>>) target(%dma_start3A_43 : memref<128x64xf32, #tpu.memory_space<vmem>>) offsets(%dma_start3A_46 : memref<128xi32, #tpu.memory_space<vmem>>) semaphore(%arg8 : memref<!tpu.dma_semaphore, #tpu.memory_space<semaphore_mem>>)
    %dma_start3A_50 = arith.constant 4 : i32
    %dma_start3A_51 = arith.constant 4 : i32
    %dma_start3A_52 = arith.constant 0 : i32
    %dma_start3A_53 = arith.constant 0 : i32
    %dma_start3A_54 = tpu.memref_slice %arg6[%dma_start3A_51, %dma_start3A_52, %dma_start3A_53] : memref<7x128x64xf32, #tpu.memory_space<vmem>> -> memref<1x128x64xf32, #tpu.memory_space<vmem>>
    %dma_start3A_55 = tpu.memref_squeeze %dma_start3A_54 : memref<1x128x64xf32, #tpu.memory_space<vmem>> -> memref<128x64xf32, #tpu.memory_space<vmem>>
    %dma_start3A_56 = arith.constant 0 : i32
    %dma_start3A_57 = tpu.memref_slice %arg5[%dma_start3A_50, %dma_start3A_56] : memref<200x128xi32, #tpu.memory_space<vmem>> -> memref<1x128xi32, #tpu.memory_space<vmem>>
    %dma_start3A_58 = tpu.memref_squeeze %dma_start3A_57 : memref<1x128xi32, #tpu.memory_space<vmem>> -> memref<128xi32, #tpu.memory_space<vmem>>
    %dma_start3A_59 = arith.constant 0 : i32
    %dma_start3A_60 = arith.constant 0 : i32
    %dma_start3A_61 = tpu.memref_slice %arg3[%dma_start3A_59, %dma_start3A_60] : memref<1000000x64xf32, #tpu.memory_space<hbm>> -> memref<1000000x64xf32, #tpu.memory_space<hbm>>
    tpu.enqueue_indirect_dma source(%dma_start3A_61 : memref<1000000x64xf32, #tpu.memory_space<hbm>>) target(%dma_start3A_55 : memref<128x64xf32, #tpu.memory_space<vmem>>) offsets(%dma_start3A_58 : memref<128xi32, #tpu.memory_space<vmem>>) semaphore(%arg8 : memref<!tpu.dma_semaphore, #tpu.memory_space<semaphore_mem>>)
    %dma_start3A_62 = arith.constant 5 : i32
    %dma_start3A_63 = arith.constant 5 : i32
    %dma_start3A_64 = arith.constant 0 : i32
    %dma_start3A_65 = arith.constant 0 : i32
    %dma_start3A_66 = tpu.memref_slice %arg6[%dma_start3A_63, %dma_start3A_64, %dma_start3A_65] : memref<7x128x64xf32, #tpu.memory_space<vmem>> -> memref<1x128x64xf32, #tpu.memory_space<vmem>>
    %dma_start3A_67 = tpu.memref_squeeze %dma_start3A_66 : memref<1x128x64xf32, #tpu.memory_space<vmem>> -> memref<128x64xf32, #tpu.memory_space<vmem>>
    %dma_start3A_68 = arith.constant 0 : i32
    %dma_start3A_69 = tpu.memref_slice %arg5[%dma_start3A_62, %dma_start3A_68] : memref<200x128xi32, #tpu.memory_space<vmem>> -> memref<1x128xi32, #tpu.memory_space<vmem>>
    %dma_start3A_70 = tpu.memref_squeeze %dma_start3A_69 : memref<1x128xi32, #tpu.memory_space<vmem>> -> memref<128xi32, #tpu.memory_space<vmem>>
    %dma_start3A_71 = arith.constant 0 : i32
    %dma_start3A_72 = arith.constant 0 : i32
    %dma_start3A_73 = tpu.memref_slice %arg3[%dma_start3A_71, %dma_start3A_72] : memref<1000000x64xf32, #tpu.memory_space<hbm>> -> memref<1000000x64xf32, #tpu.memory_space<hbm>>
    tpu.enqueue_indirect_dma source(%dma_start3A_73 : memref<1000000x64xf32, #tpu.memory_space<hbm>>) target(%dma_start3A_67 : memref<128x64xf32, #tpu.memory_space<vmem>>) offsets(%dma_start3A_70 : memref<128xi32, #tpu.memory_space<vmem>>) semaphore(%arg8 : memref<!tpu.dma_semaphore, #tpu.memory_space<semaphore_mem>>)
    %dma_start3A_74 = arith.constant 6 : i32
    %dma_start3A_75 = arith.constant 6 : i32
    %dma_start3A_76 = arith.constant 0 : i32
    %dma_start3A_77 = arith.constant 0 : i32
    %dma_start3A_78 = tpu.memref_slice %arg6[%dma_start3A_75, %dma_start3A_76, %dma_start3A_77] : memref<7x128x64xf32, #tpu.memory_space<vmem>> -> memref<1x128x64xf32, #tpu.memory_space<vmem>>
    %dma_start3A_79 = tpu.memref_squeeze %dma_start3A_78 : memref<1x128x64xf32, #tpu.memory_space<vmem>> -> memref<128x64xf32, #tpu.memory_space<vmem>>
    %dma_start3A_80 = arith.constant 0 : i32
    %dma_start3A_81 = tpu.memref_slice %arg5[%dma_start3A_74, %dma_start3A_80] : memref<200x128xi32, #tpu.memory_space<vmem>> -> memref<1x128xi32, #tpu.memory_space<vmem>>
    %dma_start3A_82 = tpu.memref_squeeze %dma_start3A_81 : memref<1x128xi32, #tpu.memory_space<vmem>> -> memref<128xi32, #tpu.memory_space<vmem>>
    %dma_start3A_83 = arith.constant 0 : i32
    %dma_start3A_84 = arith.constant 0 : i32
    %dma_start3A_85 = tpu.memref_slice %arg3[%dma_start3A_83, %dma_start3A_84] : memref<1000000x64xf32, #tpu.memory_space<hbm>> -> memref<1000000x64xf32, #tpu.memory_space<hbm>>
    tpu.enqueue_indirect_dma source(%dma_start3A_85 : memref<1000000x64xf32, #tpu.memory_space<hbm>>) target(%dma_start3A_79 : memref<128x64xf32, #tpu.memory_space<vmem>>) offsets(%dma_start3A_82 : memref<128xi32, #tpu.memory_space<vmem>>) semaphore(%arg8 : memref<!tpu.dma_semaphore, #tpu.memory_space<semaphore_mem>>)
    %scan3A = arith.constant 0 : i32
    %scan3A_86 = arith.constant 0 : i32
    %scan3A_87 = arith.constant 200 : i32
    %scan3A_88 = arith.addi %scan3A_86, %scan3A_87 : i32
    %scan3A_89 = arith.constant 1 : i32
    scf.for %scan3A_205 = %scan3A_86 to %scan3A_88 step %scan3A_89  : i32 {
      %jit3A = arith.constant 7 : i32
      %eq3A = arith.constant 0 : i32
      %eq3A_206 = arith.cmpi eq, %jit3A, %eq3A : i32
      %jit3A_207 = arith.constant 1 : i32
      %select_n3A = arith.select %eq3A_206, %jit3A_207, %jit3A : i32
      %rem3A = arith.remsi %scan3A_205, %select_n3A : i32
      %ne3A = arith.constant 0 : i32
      %ne3A_208 = arith.cmpi ne, %rem3A, %ne3A : i32
      %lt3A = arith.constant 0 : i32
      %lt3A_209 = arith.cmpi slt, %rem3A, %lt3A : i32
      %lt3A_210 = arith.constant 0 : i32
      %lt3A_211 = arith.cmpi slt, %select_n3A, %lt3A_210 : i32
      %ne3A_212 = arith.xori %lt3A_209, %lt3A_211 : i1
      %and3A = arith.andi %ne3A_212, %ne3A_208 : i1
      %add3A_213 = arith.addi %rem3A, %select_n3A : i32
      %select_n3A_214 = arith.select %and3A, %add3A_213, %rem3A : i32
      %jit3A_215 = arith.constant 5 : i32
      %eq3A_216 = arith.constant 0 : i32
      %eq3A_217 = arith.cmpi eq, %jit3A_215, %eq3A_216 : i32
      %jit3A_218 = arith.constant 1 : i32
      %select_n3A_219 = arith.select %eq3A_217, %jit3A_218, %jit3A_215 : i32
      %rem3A_220 = arith.remsi %scan3A_205, %select_n3A_219 : i32
      %ne3A_221 = arith.constant 0 : i32
      %ne3A_222 = arith.cmpi ne, %rem3A_220, %ne3A_221 : i32
      %lt3A_223 = arith.constant 0 : i32
      %lt3A_224 = arith.cmpi slt, %rem3A_220, %lt3A_223 : i32
      %lt3A_225 = arith.constant 0 : i32
      %lt3A_226 = arith.cmpi slt, %select_n3A_219, %lt3A_225 : i32
      %ne3A_227 = arith.xori %lt3A_224, %lt3A_226 : i1
      %and3A_228 = arith.andi %ne3A_227, %ne3A_222 : i1
      %add3A_229 = arith.addi %rem3A_220, %select_n3A_219 : i32
      %select_n3A_230 = arith.select %and3A_228, %add3A_229, %rem3A_220 : i32
      %dma_wait3A_231 = arith.constant 0 : i32
      %dma_wait3A_232 = arith.constant 0 : i32
      %dma_wait3A_233 = arith.constant 0 : i32
      %dma_wait3A_234 = tpu.memref_slice %arg6[%select_n3A_214, %dma_wait3A_232, %dma_wait3A_233] : memref<7x128x64xf32, #tpu.memory_space<vmem>> -> memref<1x128x64xf32, #tpu.memory_space<vmem>>
      %dma_wait3A_235 = tpu.memref_squeeze %dma_wait3A_234 : memref<1x128x64xf32, #tpu.memory_space<vmem>> -> memref<128x64xf32, #tpu.memory_space<vmem>>
      %dma_wait3A_236 = arith.constant 0 : i32
      %dma_wait3A_237 = tpu.memref_slice %arg5[%dma_wait3A_231, %dma_wait3A_236] : memref<200x128xi32, #tpu.memory_space<vmem>> -> memref<1x128xi32, #tpu.memory_space<vmem>>
      %dma_wait3A_238 = tpu.memref_squeeze %dma_wait3A_237 : memref<1x128xi32, #tpu.memory_space<vmem>> -> memref<128xi32, #tpu.memory_space<vmem>>
      %dma_wait3A_239 = arith.constant 0 : i32
      %dma_wait3A_240 = arith.constant 0 : i32
      %dma_wait3A_241 = tpu.memref_slice %arg3[%dma_wait3A_239, %dma_wait3A_240] : memref<1000000x64xf32, #tpu.memory_space<hbm>> -> memref<1000000x64xf32, #tpu.memory_space<hbm>>
      tpu.wait_indirect_dma semaphore(%arg8 : memref<!tpu.dma_semaphore, #tpu.memory_space<semaphore_mem>>) src(%dma_wait3A_241 : memref<1000000x64xf32, #tpu.memory_space<hbm>>) dst(%dma_wait3A_235 : memref<128x64xf32, #tpu.memory_space<vmem>>)
      %ge3A = arith.constant 5 : i32
      %ge3A_242 = arith.cmpi sge, %scan3A_205, %ge3A : i32
      %convert_element_type3A = arith.extui %ge3A_242 : i1 to i32
      %cond3A = arith.constant 0 : i32
      %cond3A_243 = arith.cmpi ne, %convert_element_type3A, %cond3A : i32
      scf.if %cond3A_243 {
        %dma_wait3A_358 = arith.constant 0 : i32
        %dma_wait3A_359 = arith.constant 0 : i32
        %dma_wait3A_360 = arith.constant 0 : i32
        %dma_wait3A_361 = arith.constant 0 : i32
        %dma_wait3A_362 = arith.constant 0 : i32
        %dma_wait3A_363 = tpu.memref_slice %arg7[%select_n3A_230, %dma_wait3A_360, %dma_wait3A_361, %dma_wait3A_362] : memref<5x8x8x129xf32, #tpu.memory_space<vmem>> -> memref<1x8x8x128xf32, #tpu.memory_space<vmem>>
        %dma_wait3A_364 = tpu.memref_squeeze %dma_wait3A_363 : memref<1x8x8x128xf32, #tpu.memory_space<vmem>> -> memref<8x8x128xf32, #tpu.memory_space<vmem>>
        %dma_wait3A_365 = arith.constant 0 : i32
        %dma_wait3A_366 = arith.constant 0 : i32
        %dma_wait3A_367 = arith.constant 0 : i32
        %dma_wait3A_368 = tpu.memref_slice %arg4[%dma_wait3A_358, %dma_wait3A_365, %dma_wait3A_359, %dma_wait3A_366, %dma_wait3A_367] : memref<200x8x32x8x128xf32, #tpu.memory_space<hbm>> -> memref<1x8x1x8x128xf32, #tpu.memory_space<hbm>>
        %dma_wait3A_369 = tpu.memref_squeeze %dma_wait3A_368 : memref<1x8x1x8x128xf32, #tpu.memory_space<hbm>> -> memref<8x8x128xf32, #tpu.memory_space<hbm>>
        %dma_wait3A_370 = arith.constant 0 : i32
        %dma_wait3A_371 = arith.constant 0 : i32
        %dma_wait3A_372 = arith.constant 0 : i32
        %dma_wait3A_373 = tpu.memref_slice %arg4[%dma_wait3A_358, %dma_wait3A_370, %dma_wait3A_359, %dma_wait3A_371, %dma_wait3A_372] : memref<200x8x32x8x128xf32, #tpu.memory_space<hbm>> -> memref<1x8x1x8x128xf32, #tpu.memory_space<hbm>>
        %dma_wait3A_374 = tpu.memref_squeeze %dma_wait3A_373 : memref<1x8x1x8x128xf32, #tpu.memory_space<hbm>> -> memref<8x8x128xf32, #tpu.memory_space<hbm>>
        %dma_wait3A_375 = arith.constant 0 : i32
        %dma_wait3A_376 = arith.constant 0 : i32
        %dma_wait3A_377 = arith.constant 0 : i32
        %dma_wait3A_378 = tpu.memref_slice %arg7[%select_n3A_230, %dma_wait3A_375, %dma_wait3A_376, %dma_wait3A_377] : memref<5x8x8x129xf32, #tpu.memory_space<vmem>> -> memref<1x8x8x128xf32, #tpu.memory_space<vmem>>
        %dma_wait3A_379 = tpu.memref_squeeze %dma_wait3A_378 : memref<1x8x8x128xf32, #tpu.memory_space<vmem>> -> memref<8x8x128xf32, #tpu.memory_space<vmem>>
        tpu.wait_dma2 semaphore(%arg9 : memref<!tpu.dma_semaphore, #tpu.memory_space<semaphore_mem>>) src(%dma_wait3A_379 : memref<8x8x128xf32, #tpu.memory_space<vmem>>) dst(%dma_wait3A_374 : memref<8x8x128xf32, #tpu.memory_space<hbm>>)
      } else {
      }
      %iota3A = tpu.iota {dimensions = array<i32: 0>} : vector<16xi32>
      %add3A_244 = arith.constant 0 : i32
      %add3A_245 = vector.broadcast %add3A_244 : i32 to vector<16xi32>
      %add3A_246 = arith.addi %iota3A, %add3A_245 : vector<16xi32>
      %shift_right_arithmetic3A = arith.constant 3 : i32
      %shift_right_arithmetic3A_247 = vector.broadcast %shift_right_arithmetic3A : i32 to vector<16xi32>
      %shift_right_arithmetic3A_248 = arith.shrsi %add3A_246, %shift_right_arithmetic3A_247 : vector<16xi32>
      %add3A_249 = arith.constant 16 : i32
      %add3A_250 = vector.broadcast %add3A_249 : i32 to vector<16xi32>
      %add3A_251 = arith.addi %iota3A, %add3A_250 : vector<16xi32>
      %shift_right_arithmetic3A_252 = arith.constant 3 : i32
      %shift_right_arithmetic3A_253 = vector.broadcast %shift_right_arithmetic3A_252 : i32 to vector<16xi32>
      %shift_right_arithmetic3A_254 = arith.shrsi %add3A_251, %shift_right_arithmetic3A_253 : vector<16xi32>
      %add3A_255 = arith.constant 32 : i32
      %add3A_256 = vector.broadcast %add3A_255 : i32 to vector<16xi32>
      %add3A_257 = arith.addi %iota3A, %add3A_256 : vector<16xi32>
      %shift_right_arithmetic3A_258 = arith.constant 3 : i32
      %shift_right_arithmetic3A_259 = vector.broadcast %shift_right_arithmetic3A_258 : i32 to vector<16xi32>
      %shift_right_arithmetic3A_260 = arith.shrsi %add3A_257, %shift_right_arithmetic3A_259 : vector<16xi32>
      %add3A_261 = arith.constant 48 : i32
      %add3A_262 = vector.broadcast %add3A_261 : i32 to vector<16xi32>
      %add3A_263 = arith.addi %iota3A, %add3A_262 : vector<16xi32>
      %shift_right_arithmetic3A_264 = arith.constant 3 : i32
      %shift_right_arithmetic3A_265 = vector.broadcast %shift_right_arithmetic3A_264 : i32 to vector<16xi32>
      %shift_right_arithmetic3A_266 = arith.shrsi %add3A_263, %shift_right_arithmetic3A_265 : vector<16xi32>
      %add3A_267 = arith.constant 0 : i32
      %add3A_268 = vector.broadcast %add3A_267 : i32 to vector<16xi32>
      %add3A_269 = arith.addi %iota3A, %add3A_268 : vector<16xi32>
      %and3A_270 = arith.constant 7 : i32
      %and3A_271 = vector.broadcast %and3A_270 : i32 to vector<16xi32>
      %and3A_272 = arith.andi %add3A_269, %and3A_271 : vector<16xi32>
      %add3A_273 = arith.constant 16 : i32
      %add3A_274 = vector.broadcast %add3A_273 : i32 to vector<16xi32>
      %add3A_275 = arith.addi %iota3A, %add3A_274 : vector<16xi32>
      %and3A_276 = arith.constant 7 : i32
      %and3A_277 = vector.broadcast %and3A_276 : i32 to vector<16xi32>
      %and3A_278 = arith.andi %add3A_275, %and3A_277 : vector<16xi32>
      %add3A_279 = arith.constant 32 : i32
      %add3A_280 = vector.broadcast %add3A_279 : i32 to vector<16xi32>
      %add3A_281 = arith.addi %iota3A, %add3A_280 : vector<16xi32>
      %and3A_282 = arith.constant 7 : i32
      %and3A_283 = vector.broadcast %and3A_282 : i32 to vector<16xi32>
      %and3A_284 = arith.andi %add3A_281, %and3A_283 : vector<16xi32>
      %add3A_285 = arith.constant 48 : i32
      %add3A_286 = vector.broadcast %add3A_285 : i32 to vector<16xi32>
      %add3A_287 = arith.addi %iota3A, %add3A_286 : vector<16xi32>
      %and3A_288 = arith.constant 7 : i32
      %and3A_289 = vector.broadcast %and3A_288 : i32 to vector<16xi32>
      %and3A_290 = arith.andi %add3A_287, %and3A_289 : vector<16xi32>
      %parallel_loop3A = arith.constant 0 : i32
      %parallel_loop3A_291 = arith.constant 128 : i32
      %parallel_loop3A_292 = arith.constant 1 : i32
      scf.for %parallel_loop3A_358 = %parallel_loop3A to %parallel_loop3A_291 step %parallel_loop3A_292  : i32 {
        %parallel_loop3A_359 = vector.broadcast %parallel_loop3A_358 : i32 to vector<16xi32>
        %parallel_loop3A_360 = arith.constant 0 : i32
        %parallel_loop3A_361 = arith.constant 0 : i32
        %parallel_loop3A_362 = tpu.memref_slice %arg6[%select_n3A_214, %parallel_loop3A_360, %parallel_loop3A_361] : memref<7x128x64xf32, #tpu.memory_space<vmem>> -> memref<1x128x64xf32, #tpu.memory_space<vmem>>
        %parallel_loop3A_363 = tpu.memref_squeeze %parallel_loop3A_362 : memref<1x128x64xf32, #tpu.memory_space<vmem>> -> memref<128x64xf32, #tpu.memory_space<vmem>>
        %parallel_loop3A_364 = arith.index_cast %parallel_loop3A_358 : i32 to index
        %parallel_loop3A_365 = arith.constant 0 : index
        %parallel_loop3A_366 = tpu.vector_load %parallel_loop3A_363[%parallel_loop3A_364, %parallel_loop3A_365] {strides = array<i32>} : memref<128x64xf32, #tpu.memory_space<vmem>>, vector<16xf32>,
        %parallel_loop3A_367 = arith.constant 0 : i32
        %parallel_loop3A_368 = arith.constant 0 : i32
        %parallel_loop3A_369 = tpu.memref_slice %arg6[%select_n3A_214, %parallel_loop3A_367, %parallel_loop3A_368] : memref<7x128x64xf32, #tpu.memory_space<vmem>> -> memref<1x128x64xf32, #tpu.memory_space<vmem>>
        %parallel_loop3A_370 = tpu.memref_squeeze %parallel_loop3A_369 : memref<1x128x64xf32, #tpu.memory_space<vmem>> -> memref<128x64xf32, #tpu.memory_space<vmem>>
        %parallel_loop3A_371 = arith.index_cast %parallel_loop3A_358 : i32 to index
        %parallel_loop3A_372 = arith.constant 16 : index
        %parallel_loop3A_373 = tpu.vector_load %parallel_loop3A_370[%parallel_loop3A_371, %parallel_loop3A_372] {strides = array<i32>} : memref<128x64xf32, #tpu.memory_space<vmem>>, vector<16xf32>,
        %parallel_loop3A_374 = arith.constant 0 : i32
        %parallel_loop3A_375 = arith.constant 0 : i32
        %parallel_loop3A_376 = tpu.memref_slice %arg6[%select_n3A_214, %parallel_loop3A_374, %parallel_loop3A_375] : memref<7x128x64xf32, #tpu.memory_space<vmem>> -> memref<1x128x64xf32, #tpu.memory_space<vmem>>
        %parallel_loop3A_377 = tpu.memref_squeeze %parallel_loop3A_376 : memref<1x128x64xf32, #tpu.memory_space<vmem>> -> memref<128x64xf32, #tpu.memory_space<vmem>>
        %parallel_loop3A_378 = arith.index_cast %parallel_loop3A_358 : i32 to index
        %parallel_loop3A_379 = arith.constant 32 : index
        %parallel_loop3A_380 = tpu.vector_load %parallel_loop3A_377[%parallel_loop3A_378, %parallel_loop3A_379] {strides = array<i32>} : memref<128x64xf32, #tpu.memory_space<vmem>>, vector<16xf32>,
        %parallel_loop3A_381 = arith.constant 0 : i32
        %parallel_loop3A_382 = arith.constant 0 : i32
        %parallel_loop3A_383 = tpu.memref_slice %arg6[%select_n3A_214, %parallel_loop3A_381, %parallel_loop3A_382] : memref<7x128x64xf32, #tpu.memory_space<vmem>> -> memref<1x128x64xf32, #tpu.memory_space<vmem>>
        %parallel_loop3A_384 = tpu.memref_squeeze %parallel_loop3A_383 : memref<1x128x64xf32, #tpu.memory_space<vmem>> -> memref<128x64xf32, #tpu.memory_space<vmem>>
        %parallel_loop3A_385 = arith.index_cast %parallel_loop3A_358 : i32 to index
        %parallel_loop3A_386 = arith.constant 48 : index
        %parallel_loop3A_387 = tpu.vector_load %parallel_loop3A_384[%parallel_loop3A_385, %parallel_loop3A_386] {strides = array<i32>} : memref<128x64xf32, #tpu.memory_space<vmem>>, vector<16xf32>,
        %parallel_loop3A_388 = arith.constant 0 : i32
        %parallel_loop3A_389 = arith.constant 0 : i32
        %parallel_loop3A_390 = arith.constant 0 : i32
        %parallel_loop3A_391 = tpu.memref_slice %arg7[%select_n3A_230, %parallel_loop3A_388, %parallel_loop3A_389, %parallel_loop3A_390] : memref<5x8x8x129xf32, #tpu.memory_space<vmem>> -> memref<1x8x8x129xf32, #tpu.memory_space<vmem>>
        %parallel_loop3A_392 = tpu.memref_squeeze %parallel_loop3A_391 : memref<1x8x8x129xf32, #tpu.memory_space<vmem>> -> memref<8x8x129xf32, #tpu.memory_space<vmem>>
        tpu.vector_store_idx %parallel_loop3A_392[%shift_right_arithmetic3A_248, %and3A_272, %parallel_loop3A_359], %parallel_loop3A_366 : memref<8x8x129xf32, #tpu.memory_space<vmem>>[vector<16xi32>, vector<16xi32>, vector<16xi32>], vector<16xf32>,
        %parallel_loop3A_393 = arith.constant 0 : i32
        %parallel_loop3A_394 = arith.constant 0 : i32
        %parallel_loop3A_395 = arith.constant 0 : i32
        %parallel_loop3A_396 = tpu.memref_slice %arg7[%select_n3A_230, %parallel_loop3A_393, %parallel_loop3A_394, %parallel_loop3A_395] : memref<5x8x8x129xf32, #tpu.memory_space<vmem>> -> memref<1x8x8x129xf32, #tpu.memory_space<vmem>>
        %parallel_loop3A_397 = tpu.memref_squeeze %parallel_loop3A_396 : memref<1x8x8x129xf32, #tpu.memory_space<vmem>> -> memref<8x8x129xf32, #tpu.memory_space<vmem>>
        tpu.vector_store_idx %parallel_loop3A_397[%shift_right_arithmetic3A_254, %and3A_278, %parallel_loop3A_359], %parallel_loop3A_373 : memref<8x8x129xf32, #tpu.memory_space<vmem>>[vector<16xi32>, vector<16xi32>, vector<16xi32>], vector<16xf32>,
        %parallel_loop3A_398 = arith.constant 0 : i32
        %parallel_loop3A_399 = arith.constant 0 : i32
        %parallel_loop3A_400 = arith.constant 0 : i32
        %parallel_loop3A_401 = tpu.memref_slice %arg7[%select_n3A_230, %parallel_loop3A_398, %parallel_loop3A_399, %parallel_loop3A_400] : memref<5x8x8x129xf32, #tpu.memory_space<vmem>> -> memref<1x8x8x129xf32, #tpu.memory_space<vmem>>
        %parallel_loop3A_402 = tpu.memref_squeeze %parallel_loop3A_401 : memref<1x8x8x129xf32, #tpu.memory_space<vmem>> -> memref<8x8x129xf32, #tpu.memory_space<vmem>>
        tpu.vector_store_idx %parallel_loop3A_402[%shift_right_arithmetic3A_260, %and3A_284, %parallel_loop3A_359], %parallel_loop3A_380 : memref<8x8x129xf32, #tpu.memory_space<vmem>>[vector<16xi32>, vector<16xi32>, vector<16xi32>], vector<16xf32>,
        %parallel_loop3A_403 = arith.constant 0 : i32
        %parallel_loop3A_404 = arith.constant 0 : i32
        %parallel_loop3A_405 = arith.constant 0 : i32
        %parallel_loop3A_406 = tpu.memref_slice %arg7[%select_n3A_230, %parallel_loop3A_403, %parallel_loop3A_404, %parallel_loop3A_405] : memref<5x8x8x129xf32, #tpu.memory_space<vmem>> -> memref<1x8x8x129xf32, #tpu.memory_space<vmem>>
        %parallel_loop3A_407 = tpu.memref_squeeze %parallel_loop3A_406 : memref<1x8x8x129xf32, #tpu.memory_space<vmem>> -> memref<8x8x129xf32, #tpu.memory_space<vmem>>
        tpu.vector_store_idx %parallel_loop3A_407[%shift_right_arithmetic3A_266, %and3A_290, %parallel_loop3A_359], %parallel_loop3A_387 : memref<8x8x129xf32, #tpu.memory_space<vmem>>[vector<16xi32>, vector<16xi32>, vector<16xi32>], vector<16xf32>,
      } {sc.loop_unroll_factor = 4 : i64, sc.parallel_access}
      %add3A_293 = arith.constant 7 : i32
      %add3A_294 = arith.addi %scan3A_205, %add3A_293 : i32
      %lt3A_295 = arith.constant 200 : i32
      %lt3A_296 = arith.cmpi slt, %add3A_294, %lt3A_295 : i32
      %convert_element_type3A_297 = arith.extui %lt3A_296 : i1 to i32
      %cond3A_298 = arith.constant 0 : i32
      %cond3A_299 = arith.cmpi ne, %convert_element_type3A_297, %cond3A_298 : i32
      scf.if %cond3A_299 {
        %add3A_358 = arith.constant 7 : i32
        %add3A_359 = arith.addi %scan3A_205, %add3A_358 : i32
        %dma_start3A_360 = arith.constant 0 : i32
        %dma_start3A_361 = arith.constant 0 : i32
        %dma_start3A_362 = tpu.memref_slice %arg6[%select_n3A_214, %dma_start3A_360, %dma_start3A_361] : memref<7x128x64xf32, #tpu.memory_space<vmem>> -> memref<1x128x64xf32, #tpu.memory_space<vmem>>
        %dma_start3A_363 = tpu.memref_squeeze %dma_start3A_362 : memref<1x128x64xf32, #tpu.memory_space<vmem>> -> memref<128x64xf32, #tpu.memory_space<vmem>>
        %dma_start3A_364 = arith.constant 0 : i32
        %dma_start3A_365 = tpu.memref_slice %arg5[%add3A_359, %dma_start3A_364] : memref<200x128xi32, #tpu.memory_space<vmem>> -> memref<1x128xi32, #tpu.memory_space<vmem>>
        %dma_start3A_366 = tpu.memref_squeeze %dma_start3A_365 : memref<1x128xi32, #tpu.memory_space<vmem>> -> memref<128xi32, #tpu.memory_space<vmem>>
        %dma_start3A_367 = arith.constant 0 : i32
        %dma_start3A_368 = arith.constant 0 : i32
        %dma_start3A_369 = tpu.memref_slice %arg3[%dma_start3A_367, %dma_start3A_368] : memref<1000000x64xf32, #tpu.memory_space<hbm>> -> memref<1000000x64xf32, #tpu.memory_space<hbm>>
        tpu.enqueue_indirect_dma source(%dma_start3A_369 : memref<1000000x64xf32, #tpu.memory_space<hbm>>) target(%dma_start3A_363 : memref<128x64xf32, #tpu.memory_space<vmem>>) offsets(%dma_start3A_366 : memref<128xi32, #tpu.memory_space<vmem>>) semaphore(%arg8 : memref<!tpu.dma_semaphore, #tpu.memory_space<semaphore_mem>>)
      } else {
      }
      %add3A_300 = arith.addi %mul3A_2, %scan3A_205 : i32
      %jit3A_301 = arith.constant 32 : i32
      %div3A = arith.divsi %add3A_300, %jit3A_301 : i32
      %sign3A = arith.constant 0 : i32
      %sign3A_302 = arith.cmpi sgt, %add3A_300, %sign3A : i32
      %sign3A_303 = arith.extui %sign3A_302 : i1 to i32
      %sign3A_304 = arith.constant 0 : i32
      %sign3A_305 = arith.cmpi slt, %add3A_300, %sign3A_304 : i32
      %sign3A_306 = arith.extui %sign3A_305 : i1 to i32
      %sign3A_307 = arith.subi %sign3A_303, %sign3A_306 : i32
      %sign3A_308 = arith.constant 0 : i32
      %sign3A_309 = arith.cmpi sgt, %jit3A_301, %sign3A_308 : i32
      %sign3A_310 = arith.extui %sign3A_309 : i1 to i32
      %sign3A_311 = arith.constant 0 : i32
      %sign3A_312 = arith.cmpi slt, %jit3A_301, %sign3A_311 : i32
      %sign3A_313 = arith.extui %sign3A_312 : i1 to i32
      %sign3A_314 = arith.subi %sign3A_310, %sign3A_313 : i32
      %ne3A_315 = arith.cmpi ne, %sign3A_307, %sign3A_314 : i32
      %rem3A_316 = arith.remsi %add3A_300, %jit3A_301 : i32
      %ne3A_317 = arith.constant 0 : i32
      %ne3A_318 = arith.cmpi ne, %rem3A_316, %ne3A_317 : i32
      %and3A_319 = arith.andi %ne3A_315, %ne3A_318 : i1
      %sub3A = arith.constant 1 : i32
      %sub3A_320 = arith.subi %div3A, %sub3A : i32
      %select_n3A_321 = arith.select %and3A_319, %sub3A_320, %div3A : i32
      %jit3A_322 = arith.constant 32 : i32
      %eq3A_323 = arith.constant 0 : i32
      %eq3A_324 = arith.cmpi eq, %jit3A_322, %eq3A_323 : i32
      %jit3A_325 = arith.constant 1 : i32
      %select_n3A_326 = arith.select %eq3A_324, %jit3A_325, %jit3A_322 : i32
      %rem3A_327 = arith.remsi %add3A_300, %select_n3A_326 : i32
      %ne3A_328 = arith.constant 0 : i32
      %ne3A_329 = arith.cmpi ne, %rem3A_327, %ne3A_328 : i32
      %lt3A_330 = arith.constant 0 : i32
      %lt3A_331 = arith.cmpi slt, %rem3A_327, %lt3A_330 : i32
      %lt3A_332 = arith.constant 0 : i32
      %lt3A_333 = arith.cmpi slt, %select_n3A_326, %lt3A_332 : i32
      %ne3A_334 = arith.xori %lt3A_331, %lt3A_333 : i1
      %and3A_335 = arith.andi %ne3A_334, %ne3A_329 : i1
      %add3A_336 = arith.addi %rem3A_327, %select_n3A_326 : i32
      %select_n3A_337 = arith.select %and3A_335, %add3A_336, %rem3A_327 : i32
      %dma_start3A_338 = arith.constant 0 : i32
      %dma_start3A_339 = arith.constant 0 : i32
      %dma_start3A_340 = arith.constant 0 : i32
      %dma_start3A_341 = tpu.memref_slice %arg7[%select_n3A_230, %dma_start3A_338, %dma_start3A_339, %dma_start3A_340] : memref<5x8x8x129xf32, #tpu.memory_space<vmem>> -> memref<1x8x8x128xf32, #tpu.memory_space<vmem>>
      %dma_start3A_342 = tpu.memref_squeeze %dma_start3A_341 : memref<1x8x8x128xf32, #tpu.memory_space<vmem>> -> memref<8x8x128xf32, #tpu.memory_space<vmem>>
      %dma_start3A_343 = arith.constant 0 : i32
      %dma_start3A_344 = arith.constant 0 : i32
      %dma_start3A_345 = arith.constant 0 : i32
      %dma_start3A_346 = tpu.memref_slice %arg4[%select_n3A_321, %dma_start3A_343, %select_n3A_337, %dma_start3A_344, %dma_start3A_345] : memref<200x8x32x8x128xf32, #tpu.memory_space<hbm>> -> memref<1x8x1x8x128xf32, #tpu.memory_space<hbm>>
      %dma_start3A_347 = tpu.memref_squeeze %dma_start3A_346 : memref<1x8x1x8x128xf32, #tpu.memory_space<hbm>> -> memref<8x8x128xf32, #tpu.memory_space<hbm>>
      %dma_start3A_348 = arith.constant 0 : i32
      %dma_start3A_349 = arith.constant 0 : i32
      %dma_start3A_350 = arith.constant 0 : i32
      %dma_start3A_351 = tpu.memref_slice %arg4[%select_n3A_321, %dma_start3A_348, %select_n3A_337, %dma_start3A_349, %dma_start3A_350] : memref<200x8x32x8x128xf32, #tpu.memory_space<hbm>> -> memref<1x8x1x8x128xf32, #tpu.memory_space<hbm>>
      %dma_start3A_352 = tpu.memref_squeeze %dma_start3A_351 : memref<1x8x1x8x128xf32, #tpu.memory_space<hbm>> -> memref<8x8x128xf32, #tpu.memory_space<hbm>>
      %dma_start3A_353 = arith.constant 0 : i32
      %dma_start3A_354 = arith.constant 0 : i32
      %dma_start3A_355 = arith.constant 0 : i32
      %dma_start3A_356 = tpu.memref_slice %arg7[%select_n3A_230, %dma_start3A_353, %dma_start3A_354, %dma_start3A_355] : memref<5x8x8x129xf32, #tpu.memory_space<vmem>> -> memref<1x8x8x128xf32, #tpu.memory_space<vmem>>
      %dma_start3A_357 = tpu.memref_squeeze %dma_start3A_356 : memref<1x8x8x128xf32, #tpu.memory_space<vmem>> -> memref<8x8x128xf32, #tpu.memory_space<vmem>>
      tpu.enqueue_dma source(%dma_start3A_357 : memref<8x8x128xf32, #tpu.memory_space<vmem>>) target(%dma_start3A_352 : memref<8x8x128xf32, #tpu.memory_space<hbm>>) target_semaphore(%arg9 : memref<!tpu.dma_semaphore, #tpu.memory_space<semaphore_mem>>)
    }
    %scan3A_90 = arith.constant 200 : i32
    %dma_wait3A = arith.constant 0 : i32
    %dma_wait3A_91 = arith.constant 0 : i32
    %dma_wait3A_92 = arith.constant 0 : i32
    %dma_wait3A_93 = arith.constant 0 : i32
    %dma_wait3A_94 = arith.constant 0 : i32
    %dma_wait3A_95 = arith.constant 0 : i32
    %dma_wait3A_96 = tpu.memref_slice %arg7[%dma_wait3A, %dma_wait3A_93, %dma_wait3A_94, %dma_wait3A_95] : memref<5x8x8x129xf32, #tpu.memory_space<vmem>> -> memref<1x8x8x128xf32, #tpu.memory_space<vmem>>
    %dma_wait3A_97 = tpu.memref_squeeze %dma_wait3A_96 : memref<1x8x8x128xf32, #tpu.memory_space<vmem>> -> memref<8x8x128xf32, #tpu.memory_space<vmem>>
    %dma_wait3A_98 = arith.constant 0 : i32
    %dma_wait3A_99 = arith.constant 0 : i32
    %dma_wait3A_100 = arith.constant 0 : i32
    %dma_wait3A_101 = tpu.memref_slice %arg4[%dma_wait3A_91, %dma_wait3A_98, %dma_wait3A_92, %dma_wait3A_99, %dma_wait3A_100] : memref<200x8x32x8x128xf32, #tpu.memory_space<hbm>> -> memref<1x8x1x8x128xf32, #tpu.memory_space<hbm>>
    %dma_wait3A_102 = tpu.memref_squeeze %dma_wait3A_101 : memref<1x8x1x8x128xf32, #tpu.memory_space<hbm>> -> memref<8x8x128xf32, #tpu.memory_space<hbm>>
    %dma_wait3A_103 = arith.constant 0 : i32
    %dma_wait3A_104 = arith.constant 0 : i32
    %dma_wait3A_105 = arith.constant 0 : i32
    %dma_wait3A_106 = tpu.memref_slice %arg4[%dma_wait3A_91, %dma_wait3A_103, %dma_wait3A_92, %dma_wait3A_104, %dma_wait3A_105] : memref<200x8x32x8x128xf32, #tpu.memory_space<hbm>> -> memref<1x8x1x8x128xf32, #tpu.memory_space<hbm>>
    %dma_wait3A_107 = tpu.memref_squeeze %dma_wait3A_106 : memref<1x8x1x8x128xf32, #tpu.memory_space<hbm>> -> memref<8x8x128xf32, #tpu.memory_space<hbm>>
    %dma_wait3A_108 = arith.constant 0 : i32
    %dma_wait3A_109 = arith.constant 0 : i32
    %dma_wait3A_110 = arith.constant 0 : i32
    %dma_wait3A_111 = tpu.memref_slice %arg7[%dma_wait3A, %dma_wait3A_108, %dma_wait3A_109, %dma_wait3A_110] : memref<5x8x8x129xf32, #tpu.memory_space<vmem>> -> memref<1x8x8x128xf32, #tpu.memory_space<vmem>>
    %dma_wait3A_112 = tpu.memref_squeeze %dma_wait3A_111 : memref<1x8x8x128xf32, #tpu.memory_space<vmem>> -> memref<8x8x128xf32, #tpu.memory_space<vmem>>
    tpu.wait_dma2 semaphore(%arg9 : memref<!tpu.dma_semaphore, #tpu.memory_space<semaphore_mem>>) src(%dma_wait3A_112 : memref<8x8x128xf32, #tpu.memory_space<vmem>>) dst(%dma_wait3A_107 : memref<8x8x128xf32, #tpu.memory_space<hbm>>)
    %dma_wait3A_113 = arith.constant 1 : i32
    %dma_wait3A_114 = arith.constant 0 : i32
    %dma_wait3A_115 = arith.constant 0 : i32
    %dma_wait3A_116 = arith.constant 0 : i32
    %dma_wait3A_117 = arith.constant 0 : i32
    %dma_wait3A_118 = arith.constant 0 : i32
    %dma_wait3A_119 = tpu.memref_slice %arg7[%dma_wait3A_113, %dma_wait3A_116, %dma_wait3A_117, %dma_wait3A_118] : memref<5x8x8x129xf32, #tpu.memory_space<vmem>> -> memref<1x8x8x128xf32, #tpu.memory_space<vmem>>
    %dma_wait3A_120 = tpu.memref_squeeze %dma_wait3A_119 : memref<1x8x8x128xf32, #tpu.memory_space<vmem>> -> memref<8x8x128xf32, #tpu.memory_space<vmem>>
    %dma_wait3A_121 = arith.constant 0 : i32
    %dma_wait3A_122 = arith.constant 0 : i32
    %dma_wait3A_123 = arith.constant 0 : i32
    %dma_wait3A_124 = tpu.memref_slice %arg4[%dma_wait3A_114, %dma_wait3A_121, %dma_wait3A_115, %dma_wait3A_122, %dma_wait3A_123] : memref<200x8x32x8x128xf32, #tpu.memory_space<hbm>> -> memref<1x8x1x8x128xf32, #tpu.memory_space<hbm>>
    %dma_wait3A_125 = tpu.memref_squeeze %dma_wait3A_124 : memref<1x8x1x8x128xf32, #tpu.memory_space<hbm>> -> memref<8x8x128xf32, #tpu.memory_space<hbm>>
    %dma_wait3A_126 = arith.constant 0 : i32
    %dma_wait3A_127 = arith.constant 0 : i32
    %dma_wait3A_128 = arith.constant 0 : i32
    %dma_wait3A_129 = tpu.memref_slice %arg4[%dma_wait3A_114, %dma_wait3A_126, %dma_wait3A_115, %dma_wait3A_127, %dma_wait3A_128] : memref<200x8x32x8x128xf32, #tpu.memory_space<hbm>> -> memref<1x8x1x8x128xf32, #tpu.memory_space<hbm>>
    %dma_wait3A_130 = tpu.memref_squeeze %dma_wait3A_129 : memref<1x8x1x8x128xf32, #tpu.memory_space<hbm>> -> memref<8x8x128xf32, #tpu.memory_space<hbm>>
    %dma_wait3A_131 = arith.constant 0 : i32
    %dma_wait3A_132 = arith.constant 0 : i32
    %dma_wait3A_133 = arith.constant 0 : i32
    %dma_wait3A_134 = tpu.memref_slice %arg7[%dma_wait3A_113, %dma_wait3A_131, %dma_wait3A_132, %dma_wait3A_133] : memref<5x8x8x129xf32, #tpu.memory_space<vmem>> -> memref<1x8x8x128xf32, #tpu.memory_space<vmem>>
    %dma_wait3A_135 = tpu.memref_squeeze %dma_wait3A_134 : memref<1x8x8x128xf32, #tpu.memory_space<vmem>> -> memref<8x8x128xf32, #tpu.memory_space<vmem>>
    tpu.wait_dma2 semaphore(%arg9 : memref<!tpu.dma_semaphore, #tpu.memory_space<semaphore_mem>>) src(%dma_wait3A_135 : memref<8x8x128xf32, #tpu.memory_space<vmem>>) dst(%dma_wait3A_130 : memref<8x8x128xf32, #tpu.memory_space<hbm>>)
    %dma_wait3A_136 = arith.constant 2 : i32
    %dma_wait3A_137 = arith.constant 0 : i32
    %dma_wait3A_138 = arith.constant 0 : i32
    %dma_wait3A_139 = arith.constant 0 : i32
    %dma_wait3A_140 = arith.constant 0 : i32
    %dma_wait3A_141 = arith.constant 0 : i32
    %dma_wait3A_142 = tpu.memref_slice %arg7[%dma_wait3A_136, %dma_wait3A_139, %dma_wait3A_140, %dma_wait3A_141] : memref<5x8x8x129xf32, #tpu.memory_space<vmem>> -> memref<1x8x8x128xf32, #tpu.memory_space<vmem>>
    %dma_wait3A_143 = tpu.memref_squeeze %dma_wait3A_142 : memref<1x8x8x128xf32, #tpu.memory_space<vmem>> -> memref<8x8x128xf32, #tpu.memory_space<vmem>>
    %dma_wait3A_144 = arith.constant 0 : i32
    %dma_wait3A_145 = arith.constant 0 : i32
    %dma_wait3A_146 = arith.constant 0 : i32
    %dma_wait3A_147 = tpu.memref_slice %arg4[%dma_wait3A_137, %dma_wait3A_144, %dma_wait3A_138, %dma_wait3A_145, %dma_wait3A_146] : memref<200x8x32x8x128xf32, #tpu.memory_space<hbm>> -> memref<1x8x1x8x128xf32, #tpu.memory_space<hbm>>
    %dma_wait3A_148 = tpu.memref_squeeze %dma_wait3A_147 : memref<1x8x1x8x128xf32, #tpu.memory_space<hbm>> -> memref<8x8x128xf32, #tpu.memory_space<hbm>>
    %dma_wait3A_149 = arith.constant 0 : i32
    %dma_wait3A_150 = arith.constant 0 : i32
    %dma_wait3A_151 = arith.constant 0 : i32
    %dma_wait3A_152 = tpu.memref_slice %arg4[%dma_wait3A_137, %dma_wait3A_149, %dma_wait3A_138, %dma_wait3A_150, %dma_wait3A_151] : memref<200x8x32x8x128xf32, #tpu.memory_space<hbm>> -> memref<1x8x1x8x128xf32, #tpu.memory_space<hbm>>
    %dma_wait3A_153 = tpu.memref_squeeze %dma_wait3A_152 : memref<1x8x1x8x128xf32, #tpu.memory_space<hbm>> -> memref<8x8x128xf32, #tpu.memory_space<hbm>>
    %dma_wait3A_154 = arith.constant 0 : i32
    %dma_wait3A_155 = arith.constant 0 : i32
    %dma_wait3A_156 = arith.constant 0 : i32
    %dma_wait3A_157 = tpu.memref_slice %arg7[%dma_wait3A_136, %dma_wait3A_154, %dma_wait3A_155, %dma_wait3A_156] : memref<5x8x8x129xf32, #tpu.memory_space<vmem>> -> memref<1x8x8x128xf32, #tpu.memory_space<vmem>>
    %dma_wait3A_158 = tpu.memref_squeeze %dma_wait3A_157 : memref<1x8x8x128xf32, #tpu.memory_space<vmem>> -> memref<8x8x128xf32, #tpu.memory_space<vmem>>
    tpu.wait_dma2 semaphore(%arg9 : memref<!tpu.dma_semaphore, #tpu.memory_space<semaphore_mem>>) src(%dma_wait3A_158 : memref<8x8x128xf32, #tpu.memory_space<vmem>>) dst(%dma_wait3A_153 : memref<8x8x128xf32, #tpu.memory_space<hbm>>)
    %dma_wait3A_159 = arith.constant 3 : i32
    %dma_wait3A_160 = arith.constant 0 : i32
    %dma_wait3A_161 = arith.constant 0 : i32
    %dma_wait3A_162 = arith.constant 0 : i32
    %dma_wait3A_163 = arith.constant 0 : i32
    %dma_wait3A_164 = arith.constant 0 : i32
    %dma_wait3A_165 = tpu.memref_slice %arg7[%dma_wait3A_159, %dma_wait3A_162, %dma_wait3A_163, %dma_wait3A_164] : memref<5x8x8x129xf32, #tpu.memory_space<vmem>> -> memref<1x8x8x128xf32, #tpu.memory_space<vmem>>
    %dma_wait3A_166 = tpu.memref_squeeze %dma_wait3A_165 : memref<1x8x8x128xf32, #tpu.memory_space<vmem>> -> memref<8x8x128xf32, #tpu.memory_space<vmem>>
    %dma_wait3A_167 = arith.constant 0 : i32
    %dma_wait3A_168 = arith.constant 0 : i32
    %dma_wait3A_169 = arith.constant 0 : i32
    %dma_wait3A_170 = tpu.memref_slice %arg4[%dma_wait3A_160, %dma_wait3A_167, %dma_wait3A_161, %dma_wait3A_168, %dma_wait3A_169] : memref<200x8x32x8x128xf32, #tpu.memory_space<hbm>> -> memref<1x8x1x8x128xf32, #tpu.memory_space<hbm>>
    %dma_wait3A_171 = tpu.memref_squeeze %dma_wait3A_170 : memref<1x8x1x8x128xf32, #tpu.memory_space<hbm>> -> memref<8x8x128xf32, #tpu.memory_space<hbm>>
    %dma_wait3A_172 = arith.constant 0 : i32
    %dma_wait3A_173 = arith.constant 0 : i32
    %dma_wait3A_174 = arith.constant 0 : i32
    %dma_wait3A_175 = tpu.memref_slice %arg4[%dma_wait3A_160, %dma_wait3A_172, %dma_wait3A_161, %dma_wait3A_173, %dma_wait3A_174] : memref<200x8x32x8x128xf32, #tpu.memory_space<hbm>> -> memref<1x8x1x8x128xf32, #tpu.memory_space<hbm>>
    %dma_wait3A_176 = tpu.memref_squeeze %dma_wait3A_175 : memref<1x8x1x8x128xf32, #tpu.memory_space<hbm>> -> memref<8x8x128xf32, #tpu.memory_space<hbm>>
    %dma_wait3A_177 = arith.constant 0 : i32
    %dma_wait3A_178 = arith.constant 0 : i32
    %dma_wait3A_179 = arith.constant 0 : i32
    %dma_wait3A_180 = tpu.memref_slice %arg7[%dma_wait3A_159, %dma_wait3A_177, %dma_wait3A_178, %dma_wait3A_179] : memref<5x8x8x129xf32, #tpu.memory_space<vmem>> -> memref<1x8x8x128xf32, #tpu.memory_space<vmem>>
    %dma_wait3A_181 = tpu.memref_squeeze %dma_wait3A_180 : memref<1x8x8x128xf32, #tpu.memory_space<vmem>> -> memref<8x8x128xf32, #tpu.memory_space<vmem>>
    tpu.wait_dma2 semaphore(%arg9 : memref<!tpu.dma_semaphore, #tpu.memory_space<semaphore_mem>>) src(%dma_wait3A_181 : memref<8x8x128xf32, #tpu.memory_space<vmem>>) dst(%dma_wait3A_176 : memref<8x8x128xf32, #tpu.memory_space<hbm>>)
    %dma_wait3A_182 = arith.constant 4 : i32
    %dma_wait3A_183 = arith.constant 0 : i32
    %dma_wait3A_184 = arith.constant 0 : i32
    %dma_wait3A_185 = arith.constant 0 : i32
    %dma_wait3A_186 = arith.constant 0 : i32
    %dma_wait3A_187 = arith.constant 0 : i32
    %dma_wait3A_188 = tpu.memref_slice %arg7[%dma_wait3A_182, %dma_wait3A_185, %dma_wait3A_186, %dma_wait3A_187] : memref<5x8x8x129xf32, #tpu.memory_space<vmem>> -> memref<1x8x8x128xf32, #tpu.memory_space<vmem>>
    %dma_wait3A_189 = tpu.memref_squeeze %dma_wait3A_188 : memref<1x8x8x128xf32, #tpu.memory_space<vmem>> -> memref<8x8x128xf32, #tpu.memory_space<vmem>>
    %dma_wait3A_190 = arith.constant 0 : i32
    %dma_wait3A_191 = arith.constant 0 : i32
    %dma_wait3A_192 = arith.constant 0 : i32
    %dma_wait3A_193 = tpu.memref_slice %arg4[%dma_wait3A_183, %dma_wait3A_190, %dma_wait3A_184, %dma_wait3A_191, %dma_wait3A_192] : memref<200x8x32x8x128xf32, #tpu.memory_space<hbm>> -> memref<1x8x1x8x128xf32, #tpu.memory_space<hbm>>
    %dma_wait3A_194 = tpu.memref_squeeze %dma_wait3A_193 : memref<1x8x1x8x128xf32, #tpu.memory_space<hbm>> -> memref<8x8x128xf32, #tpu.memory_space<hbm>>
    %dma_wait3A_195 = arith.constant 0 : i32
    %dma_wait3A_196 = arith.constant 0 : i32
    %dma_wait3A_197 = arith.constant 0 : i32
    %dma_wait3A_198 = tpu.memref_slice %arg4[%dma_wait3A_183, %dma_wait3A_195, %dma_wait3A_184, %dma_wait3A_196, %dma_wait3A_197] : memref<200x8x32x8x128xf32, #tpu.memory_space<hbm>> -> memref<1x8x1x8x128xf32, #tpu.memory_space<hbm>>
    %dma_wait3A_199 = tpu.memref_squeeze %dma_wait3A_198 : memref<1x8x1x8x128xf32, #tpu.memory_space<hbm>> -> memref<8x8x128xf32, #tpu.memory_space<hbm>>
    %dma_wait3A_200 = arith.constant 0 : i32
    %dma_wait3A_201 = arith.constant 0 : i32
    %dma_wait3A_202 = arith.constant 0 : i32
    %dma_wait3A_203 = tpu.memref_slice %arg7[%dma_wait3A_182, %dma_wait3A_200, %dma_wait3A_201, %dma_wait3A_202] : memref<5x8x8x129xf32, #tpu.memory_space<vmem>> -> memref<1x8x8x128xf32, #tpu.memory_space<vmem>>
    %dma_wait3A_204 = tpu.memref_squeeze %dma_wait3A_203 : memref<1x8x8x128xf32, #tpu.memory_space<vmem>> -> memref<8x8x128xf32, #tpu.memory_space<vmem>>
    tpu.wait_dma2 semaphore(%arg9 : memref<!tpu.dma_semaphore, #tpu.memory_space<semaphore_mem>>) src(%dma_wait3A_204 : memref<8x8x128xf32, #tpu.memory_space<vmem>>) dst(%dma_wait3A_199 : memref<8x8x128xf32, #tpu.memory_space<hbm>>)
    return
  }
}

</mosaic_0001>

<sc_bundles>
// kernel: _lookup.3.cloned.1.call-start
scs
__scs_entry_jumppad:
0x0: {  	(pc) =	sbr.rel $0x88, $3  }
0x1: {  	(tag) =	ssettag $0x0;
	lr =	simm.s32 $0x1  }
0x2: {  	[smem:$0x3F9F] =	sst lr;
	_ =	strace $0xD0000000  }
0x3: {  	_ = 	snop  }
0x4: {  	_ = 	snop  }
0x5: {  	_ = 	snop  }
0x6: {  	_ = 	snop  }
0x7: {  	_ = 	snop  }
__scs_overlays_trampoline_lowered:
0x8: {  	[smem:$0x3FAE] =	sst s0  }
0x9: {  	[smem:$0x3FAF] =	sst s1  }
0xa: {  	[smem:$0x3FB0] =	sst s2  }
0xb: {  	[smem:$0x3FB1] =	sst s3  }
0xc: {  	[smem:$0x3FB2] =	sst s4  }
0xd: {  	[smem:$0x3FB3] =	sst s5  }
0xe: {  	[smem:$0x3FB4] =	sst s6  }
0xf: {  	[smem:$0x3FB5] =	sst s7  }
0x10: {  	[smem:$0x3FB6] =	sst s8  }
0x11: {  	[smem:$0x3FB7] =	sst s9;
	s0 =	simm.s32 @!p0 $0x0  }
0x12: {  	s1 =	sld [smem:$0x3F9D];
	s0 =	simm.s32 @p0 $0x1  }
0x13: {  	[smem:$0x3FB8] =	sst s0;
	s0 =	simm.s32 @!p1 $0x0  }
0x14: {  	s2 =	sld [smem:$0x3F9C];
	s0 =	simm.s32 @p1 $0x1  }
0x15: {  	[smem:$0x3FB9] =	sst s0;
	s0 =	simm.s32 @!p2 $0x0  }
0x16: {  	s3 =	sld [smem:$0x3FDB];
	s0 =	simm.s32 @p2 $0x1  }
0x17: {  	s4 =	simm.s32 $0x1BF5;
	[smem:$0x3FBB] =	sst s0  }
0x18: {  	s0 =	sld [smem:$0x3F9E];
	_ =	swait.ge [sflag:s4], $0x0  }
0x19: {  	s7 =	sld [smem:$0x3F9F]  }
0x1a: {  	s8 =	sadd.s32 $0xFFFFE003, lr  }
0x1b: {  	s9 =	sadd.s32 $0xFFFFFEF7, lr;
	s5 =	simm.s32 $0xFFFFFFFF;
	p2 =	slt.u32 s8, $0xFFFFF086  }
0x1c: {  	p1 =	slt.u32 s9, $0xF7A;
	s5 =	simm.s32 @!p2 $0x0  }
0x1d: {  	s5 =	simm.s32 @p1 $0x1;
	p0 =	seq.s32 s7, s2  }
0x1e: {  	s7 =	smul.u32 @!p0 $0xF7A, s2;
	p2 =	seq.s32 @!p0 s5, $0x0  }
0x1f: {  	s9 =	smul.u32 $0xF7A, s1;
	s8 =	simm.s32 @!p0 $0x1BF5;
	p2 =	por !p2, p0  }
0x20: {  	[sflag:s8] =	ssyncset.s32 @!p0 $0xFFFFF086;
	s6 =	sadd.s32 @!p0 s3, s7;
	s7 =	simm.s32 @!p0 $0x108  }
0x21: {  	s3 =	sadd.s32 s3, s9;
	s6 =	sadd.s32 @!p0 $0x88, s6;
	s7 =	simm.s32 @p2 $0x1082  }
0x22: {  	[simem:s7], [sflag:s8] =	dma.local @!p0 [hbm:s6], $0xF7A  }
0x23: {  	s9 =	sor.u32 $0xD0000000, s2;
	s6 =	simm.s32 $0x108;
	_ =	swait.ge @!p0 [sflag:s8], $0x0  }
0x24: {  	s3 =	sadd.s32 $0x88, s3;
	s6 =	simm.s32 @!p1 $0x1082;
	[sflag:s4] =	ssyncset.s32 $0xFFFFF086  }
0x25: {  	[simem:s6], [sflag:s4] =	dma.local [hbm:s3], $0xF7A  }
0x26: {  	[smem:$0x3F9F] =	sst s1;
	(tag) =	ssettag s2;
	_ =	strace s9  }
0x27: {  	s1 =	sld [smem:$0x3FAF]  }
0x28: {  	s2 =	sld [smem:$0x3FB0]  }
0x29: {  	s4 =	sld [smem:$0x3FB2]  }
0x2a: {  	p0 =	seq.s32 s5, $0x0;
	s5 =	sld [smem:$0x3FB3]  }
0x2b: {  	s6 =	sld [smem:$0x3FB4]  }
0x2c: {  	s7 =	sld [smem:$0x3FB5]  }
0x2d: {  	s3 =	simm.s32 $0x108;
	s8 =	sld [smem:$0x3FB6]  }
0x2e: {  	s3 =	simm.s32 @!p0 $0x1082;
	s9 =	sld [smem:$0x3FB7]  }
0x2f: {  	lr =	sadd.s32 s0, s3;
	s0 =	sld [smem:$0x3FAE]  }
0x30: {  	s3 =	sld [smem:$0x3FB1]  }
0x31: {  	[smem:$0x3FBA] =	sst s10  }
0x32: {  	s10 =	sld [smem:$0x3FB8];
	_ =	sdelay $0x3  }
0x33: {  	p0 =	seq.s32 s10, $0x1;
	s10 =	sld [smem:$0x3FBA];
	_ =	sdelay $0x3  }
0x34: {  	[smem:$0x3FBA] =	sst s10  }
0x35: {  	s10 =	sld [smem:$0x3FB9];
	_ =	sdelay $0x3  }
0x36: {  	p1 =	seq.s32 s10, $0x1;
	s10 =	sld [smem:$0x3FBA];
	_ =	sdelay $0x3  }
0x37: {  	[smem:$0x3FBA] =	sst s10  }
0x38: {  	s10 =	sld [smem:$0x3FBB]  }
0x39: {  	_ = 	snop;
	(pc) =	sbr.ind lr, $3  }
0x3a: {  	_ = 	snop  }
0x3b: {  	_ = 	snop  }
0x3c: {  	p2 =	seq.s32 s10, $0x1;
	s10 =	sld [smem:$0x3FBA]  }
0x3d: {  	_ =	shalt  }
0x3e: {  	_ =	shalt  }
0x3f: {  	_ =	shalt  }
0x40: {  	_ =	shalt  }
0x41: {  	_ =	shalt  }
0x42: {  	_ =	shalt  }
0x43: {  	_ =	shalt  }
0x44: {  	_ =	shalt  }
0x45: {  	_ =	shalt  }
0x46: {  	_ =	shalt  }
0x47: {  	_ =	shalt  }
0x48: {  	_ =	shalt  }
0x49: {  	_ =	shalt  }
0x4a: {  	_ =	shalt  }
0x4b: {  	_ =	shalt  }
0x4c: {  	_ =	shalt  }
0x4d: {  	_ =	shalt  }
0x4e: {  	_ =	shalt  }
0x4f: {  	_ =	shalt  }
0x50: {  	_ =	shalt  }
0x51: {  	_ =	shalt  }
0x52: {  	_ =	shalt  }
0x53: {  	_ =	shalt  }
0x54: {  	_ =	shalt  }
0x55: {  	_ =	shalt  }
0x56: {  	_ =	shalt  }
0x57: {  	_ =	shalt  }
0x58: {  	_ =	shalt  }
0x59: {  	_ =	shalt  }
0x5a: {  	_ =	shalt  }
0x5b: {  	_ =	shalt  }
0x5c: {  	_ =	shalt  }
0x5d: {  	_ =	shalt  }
0x5e: {  	_ =	shalt  }
0x5f: {  	_ =	shalt  }
0x60: {  	_ =	shalt  }
0x61: {  	_ =	shalt  }
0x62: {  	_ =	shalt  }
0x63: {  	_ =	shalt  }
0x64: {  	_ =	shalt  }
0x65: {  	_ =	shalt  }
0x66: {  	_ =	shalt  }
0x67: {  	_ =	shalt  }
0x68: {  	_ =	shalt  }
0x69: {  	_ =	shalt  }
0x6a: {  	_ =	shalt  }
0x6b: {  	_ =	shalt  }
0x6c: {  	_ =	shalt  }
0x6d: {  	_ =	shalt  }
0x6e: {  	_ =	shalt  }
0x6f: {  	_ =	shalt  }
0x70: {  	_ =	shalt  }
0x71: {  	_ =	shalt  }
0x72: {  	_ =	shalt  }
0x73: {  	_ =	shalt  }
0x74: {  	_ =	shalt  }
0x75: {  	_ =	shalt  }
0x76: {  	_ =	shalt  }
0x77: {  	_ =	shalt  }
0x78: {  	_ =	shalt  }
0x79: {  	_ =	shalt  }
0x7a: {  	_ =	shalt  }
0x7b: {  	_ =	shalt  }
0x7c: {  	_ =	shalt  }
0x7d: {  	_ =	shalt  }
0x7e: {  	_ =	shalt  }
0x7f: {  	_ =	shalt  }
0x80: {  	_ =	shalt  }
0x81: {  	_ =	shalt  }
0x82: {  	_ =	shalt  }
0x83: {  	_ =	shalt  }
0x84: {  	_ =	shalt  }
0x85: {  	_ =	shalt  }
0x86: {  	_ =	shalt  }
0x87: {  	_ =	shalt  }
.Lfunc_end0:
.L_simem_size_0:
called_computation_lowered:
.L_overlay_start_0:
0x88: {  	s2 =	sld [smem:$0x3FD9]  }
0x89: {  	s3 =	sld [smem:$0x3FFE];
	_ =	sdelay $0x1  }
0x8a: {  	s1 =	srdreg.scid  }
0x8b: {  	s0 =	sand.u32 $0x1, s1  }
0x8c: {  	s17 =	sshll.u32 s0, $0xA;
	s2 =	sadd.s32 s3, s2  }
0x8d: {  	s2 =	sadd.s32 s2, s17  }
0x8e: {  	[smem:$0x3FC6] =	sst s2  }
0x8f: {  	_ = 	snop  }
0x90: {  	s2 =	sld [smem:$0x3FC9]  }
0x91: {  	s18 =	sld [smem:$0x3FD0];
	(tm) =	ssettm $0x1  }
0x92: {  	s4 =	sld [smem:$0x3FFB];
	_ =	sdelay $0x3  }
0x93: {  	_ =	strace s4  }
0x94: {  	s4 =	sld [smem:$0x3FFC];
	_ =	sdelay $0x3  }
0x95: {  	_ =	strace s4  }
0x96: {  	s4 =	sld [smem:$0x3FFD];
	_ =	sdelay $0x3  }
0x97: {  	_ =	strace s4  }
0x98: {  	_ =	strace $0x8FFFFFFF  }
0x99: {  	s19 =	sld [smem:$0x3FDB];
	_ =	sdelay $0x1  }
0x9a: {  	s5 =	simm.s32 $_scs_section_size  }
0x9b: {  	s6 =	simm.s32 $_size__tile_overlayer_lowered;
	s7 =	simm.s32 $_tile_overlayer_lowered  }
0x9c: {  	s22 =	simm.s32 $0x1BFF;
	s21 =	sshll.u32 s7, $0x1;
	s4 =	sadd.s32 s5, s19  }
0x9d: {  	s8 =	simm.s32 $0x0;
	s20 =	sshll.u32 s6, $0x1;
	s6 =	sadd.s32 s21, s4  }
0x9e: {  	[timem:s8], [sflag:s22] =	dma.local [hbm:s6], s20  }
0x9f: {  	_ =	swait.ge [sflag:s22], s20  }
0xa0: {  	s5 =	ssub.s32 $0x0, s20;
	[sflag:s22] =	ssyncset.done $0x0  }
0xa1: {  	[sflag:s22] =	ssyncadd.s32 s5;
	_ =	sdelay $0x1  }
0xa2: {  	s23 =	simm.s32 $0x1B8B  }
0xa3: {  	_ =	swait.ge [sflag:s23], $0x1  }
0xa4: {  	[sflag:s23] =	ssyncset.done $0x0  }
0xa5: {  	s25 =	simm.s32 $0x1B8E;
	s24 =	sld [smem:$0x3FFE];
	[sflag:s23] =	ssyncadd.s32 $0xFFFFFFFF  }
0xa6: {  	s26 =	simm.s32 $execute0_lowered;
	[smem:$0x3FD2] =	sst s25  }
0xa7: {  	s6 =	sshll.u32 s26, $0x1;
	_ =	strace $0x80000046;
	[dreg:$0x1] =	wrdreg $0xFFFFFFFF  }
0xa8: {  	s28 =	simm.s32 $_size_execute0_lowered;
	s4 =	sadd.s32 s4, s6;
	[dreg:$0x0] =	wrdreg $0x0  }
0xa9: {  	s6 =	sshll.u32 s28, $0x1;
	[dreg:$0x2] =	wrdreg s4  }
0xaa: {  	[dreg:$0x3] =	wrdreg s6  }
0xab: {  	[dreg:$0x4] =	wrdreg $0xC0  }
0xac: {  	_ =	task [dreg:s8], $0x5FFFF  }
0xad: {  	[dreg:$0x1] =	wrdreg $0xFFFFFFFF  }
0xae: {  	[dreg:$0x0] =	wrdreg $0x60  }
0xaf: {  	[dreg:$0x2] =	wrdreg s2  }
0xb0: {  	[dreg:$0x3] =	wrdreg s24  }
0xb1: {  	[dreg:$0x4] =	wrdreg s18  }
0xb2: {  	[dreg:$0x5] =	wrdreg $0x9  }
0xb3: {  	_ =	task.clear_ibuf [dreg:s8], $0x6FFFF;
	_ =	strace $0x90000046  }
0xb4: {  	s29 =	simm.s32 $0x9;
	_ =	strace $0x80000048  }
0xb5: {  	_ =	swait.ge [sflag:s29], $0x1  }
0xb6: {  	[sflag:s29] =	ssyncadd.s32 $0xFFFFFFFF  }
0xb7: {  	_ =	strace $0x90000048  }
0xb8: {  	_ =	sfence  }
0xb9: {  	s30 =	sld [smem:$0x0];
	_ =	sdelay $0x2  }
0xba: {  	s31 =	sshll.u32 s1, $0xD;
	s1 =	sshrl.u32 s1, $0x2  }
0xbb: {  	s3 =	sand.u32 $0x4000, s31;
	s1 =	sadd.s32 s1, s30  }
0xbc: {  	s0 =	sor.u32 s3, s0;
	s1 =	sshll.u32 s1, $0x11  }
0xbd: {  	s0 =	sor.u32 s1, s0  }
0xbe: {  	s0 =	sadd.s32 $0x8F2B, s0  }
0xbf: {  	[sflag:s0] =	ssyncadd.remote.s32 $0x1  }
0xc0: {  	_ =	sfence.sel $0xFFFF  }
0xc1: {  	[dreg:$0x0] =	wrdreg $0xFFFFFFFF;
	(pc) =	sbr.abs _section_cstart, $3  }
0xc2: {  	[dreg:$0x1] =	wrdreg $0xFFFFFFFF  }
0xc3: {  	_ =	task.clear_ibuf [dreg:s8], $0x2FFFF;
	_ =	strace $0x9FFFFFFF  }
0xc4: {  	(tm) =	ssettm $0x7FFFFFFF  }
0xc5: {  	_ =	shalt  }
tec
execute0_lowered:
.L_overlay_start_1:
0x0: {  	(tag) =	ssettag $0x1  }
0x1: {  	s0 =	rddreg [dreg:$0x0]  }
0x2: {  	s1 =	rddreg [dreg:$0x1]  }
0x3: {  	s2 =	rddreg [dreg:$0x2]  }
0x4: {  	s4 =	srdreg.scid;
	s5 =	stileid.u32;
	s3 =	simm.s32 $0x0  }
0x5: {  	s9 =	simm.s32 $0x80;
	s12 =	simm.s32 $0xA400;
	s13 =	simm.s32 $0x180  }
0x6: {  	s14 =	simm.s32 $0xC400;
	s15 =	simm.s32 $0x200;
	s16 =	simm.s32 $0xE400  }
0x7: {  	s17 =	simm.s32 $0x280;
	s18 =	simm.s32 $0x10400;
	s19 =	simm.s32 $0x300  }
0x8: {  	s20 =	simm.s32 $0x12400;
	s21 =	simm.s32 $0x1;
	s22 =	simm.s32 $0x2  }
0x9: {  	s23 =	simm.s32 $0x0;
	s4 =	sand.u32 $0x1, s4;
	s5 =	sshll.u32 s5, $0x1  }
0xa: {  	v0 =	vlaneseq.u32;
	[smem:$0x7FF] =	sst s3;
	s6 =	ssub.s32 $0x2, s4;
	s5 =	sor.u32 s4, s5  }
0xb: {  	v0 =	vmul.u32 $0x88, v0;
	_ =	strace $0x80000047;
	s7 =	sshrl.u32 s6, $0x1;
	s8 =	smul.u32 $0xC80, s5  }
0xc: {  	s4 =	sadd.s32 $0xF42800, s1;
	s5 =	smul.u32 $0xC8, s5;
	s31 =	ssub.s32 s6, s7  }
0xd: {  	v1 =	vadd.s32 $0x880, v0;
	v2 =	vadd.s32 $0x1100, v0;
	v3 =	vadd.s32 $0x1980, v0;
	s6 =	sadd.s32 s0, s8;
	s7 =	smax.u32 s31, $0x1;
	s8 =	simm.s32 $0x3  }
.LBB2_1:
0xe: {  	[tilespmem:s3], [sflag:$0x3] =	stream.linear.gather [hbm4b:s6+s3], $0x6400, $0x38;
	[tilespmem:$0x1EE00] =	vst v63  }
0xf: {  	_ =	swait.ge [sflag:s8], $0x6400  }
0x10: {  	[sflag:s8] =	ssyncset.done $0x0  }
0x11: {  	s24 =	simm.s32 $0x6400;
	[sflag:s8] =	ssyncadd.s32 $0xFFFF9C00  }
0x12: {  	[tilespmem:s24], [sflag:$0x1] =	stream.indirect.gather [hbm4b:s4+s9], $0x40, s3, s9, $0xb8;
	[tilespmem:$0x1EE00] =	vst v63  }
0x13: {  	s0 =	simm.s32 $0x8400  }
0x14: {  	[tilespmem:s0], [sflag:$0x1] =	stream.indirect.gather [hbm4b:s4+s9], $0x40, s9, s9, $0xb8;
	[tilespmem:$0x1EE00] =	vst v63  }
0x15: {  	s31 =	simm.s32 $0x100  }
0x16: {  	[tilespmem:s12], [sflag:$0x1] =	stream.indirect.gather [hbm4b:s4+s9], $0x40, s31, s9, $0xb8;
	[tilespmem:$0x1EE00] =	vst v63  }
0x17: {  	_ = 	snop  }
0x18: {  	[tilespmem:s14], [sflag:$0x1] =	stream.indirect.gather [hbm4b:s4+s9], $0x40, s13, s9, $0xb8;
	[tilespmem:$0x1EE00] =	vst v63  }
0x19: {  	_ = 	snop  }
0x1a: {  	[tilespmem:s16], [sflag:$0x1] =	stream.indirect.gather [hbm4b:s4+s9], $0x40, s15, s9, $0xb8;
	[tilespmem:$0x1EE00] =	vst v63  }
0x1b: {  	_ = 	snop  }
0x1c: {  	[tilespmem:s18], [sflag:$0x1] =	stream.indirect.gather [hbm4b:s4+s9], $0x40, s17, s9, $0xb8;
	[tilespmem:$0x1EE00] =	vst v63  }
0x1d: {  	s25 =	simm.s32 $0x14400;
	s26 =	simm.s32 $0x0  }
0x1e: {  	[tilespmem:s20], [sflag:$0x1] =	stream.indirect.gather [hbm4b:s4+s9], $0x40, s19, s9, $0xb8;
	[tilespmem:$0x1EE00] =	vst v63  }
.LBB2_2:
0x1f: {  	s0 =	smulhi.u32 $0x24924925, s26;
	_ =	sdelay $0x1  }
0x20: {  	s1 =	ssub.s32 s26, s0  }
0x21: {  	s1 =	sshrl.u32 s1, $0x1  }
0x22: {  	s0 =	sadd.s32 s0, s1  }
0x23: {  	s0 =	sshrl.u32 s0, $0x2  }
0x24: {  	s0 =	smul.u32 $0xFFFC8000, s0;
	_ =	sdelay $0x1  }
0x25: {  	s10 =	smul.u32 $0xCD, s26;
	_ =	swait.ge [sflag:s21], $0x2000;
	s0 =	sshra.s32 s0, $0x2  }
0x26: {  	p0 =	slt.u32 s26, $0x5;
	[sflag:s21] =	ssyncset.done $0x0;
	v4 =	vmov s0  }
0x27: {  	s11 =	sshrl.u32 s10, $0xA;
	[sflag:s21] =	ssyncadd.s32 $0xFFFFE000;
	s1 =	simm.s32 @!p0 $0x2  }
0x28: {  	_ =	swait.ge @!p0 [sflag:s1], $0x2000;
	s0 =	sand.u32 $0x3F, s11  }
0x29: {  	s28 =	simm.s32 $0x3;
	[sflag:s1] =	ssyncset.done @!p0 $0x0;
	s0 =	smul.u32 $0x5, s0  }
0x2a: {  	v5 =	vmov s28;
	s10 =	simm.s32 $0x0;
	[sflag:s1] =	ssyncadd.s32 @!p0 $0xFFFFE000  }
0x2b: {  	v5 =	vand.u32 $0x7F, v5;
	v11 =	vmov s10;
	s0 =	ssub.s32 s26, s0;
	v6 =	vld.idx.msk [tilespmem:v4+s24+$0xC0 ss:$0x1], $0xffff  }
0x2c: {  	v8 =	vadd.s32 v0, v5;
	v11 =	vand.u32 $0x7C, v11;
	s0 =	sand.u32 $0xFF, s0;
	v7 =	vld.idx.msk [tilespmem:v4+s24+$0xD0 ss:$0x1], $0xffff  }
0x2d: {  	v16 =	vadd.s32 v0, v11;
	s0 =	smul.u32 $0x8800, s0;
	v14 =	vld.idx.msk [tilespmem:v4+s24+$0x0 ss:$0x1], $0xffff  }
0x2e: {  	s28 =	smul.u32 $0x25, s26;
	v10 =	vadd.s32 v1, v5;
	v9 =	vld.idx.msk [tilespmem:v4+s24+$0xE0 ss:$0x1], $0xffff  }
0x2f: {  	v13 =	vadd.s32 v2, v5;
	v12 =	vld.idx.msk [tilespmem:v4+s24+$0xF0 ss:$0x1], $0xffff;
	s0 =	sshrl.u32 s0, $0x2  }
0x30: {  	v18 =	vadd.s32 v1, v11;
	s11 =	sshrl.u32 s28, $0x8;
	v15 =	vld.idx.msk [tilespmem:v4+s24+$0x10 ss:$0x1], $0xffff;
	s29 =	sadd.s32 $0x14400, s0  }
0x31: {  	s28 =	simm.s32 $0x1;
	s10 =	ssub.s32 s26, s11;
	v17 =	vld.idx.msk [tilespmem:v4+s24+$0x20 ss:$0x1], $0xffff;
	[tilespmem:v8+s29+$0x0] =	vst.idx.msk $0xffff, v6;
	v6 =	vadd.s32 v2, v11  }
0x32: {  	v5 =	vadd.s32 v3, v5;
	v19 =	vmov s28;
	s0 =	sand.u32 $0xFE, s10;
	v8 =	vld.idx.msk [tilespmem:v4+s24+$0x30 ss:$0x1], $0xffff;
	[tilespmem:v16+s29+$0x0] =	vst.idx.msk $0xffff, v14  }
0x33: {  	s0 =	sshrl.u32 s0, $0x1;
	v14 =	vld.idx.msk [tilespmem:v4+s24+$0x60 ss:$0x1], $0xffff;
	[tilespmem:v10+s29+$0x0] =	vst.idx.msk $0xffff, v7;
	v7 =	vadd.s32 v3, v11;
	v11 =	vand.u32 $0x7D, v19  }
0x34: {  	s0 =	sadd.s32 s11, s0;
	v10 =	vld.idx.msk [tilespmem:v4+s24+$0x40 ss:$0x1], $0xffff;
	[tilespmem:v13+s29+$0x0] =	vst.idx.msk $0xffff, v9;
	v13 =	vadd.s32 v0, v11  }
0x35: {  	s28 =	simm.s32 $0x2;
	s11 =	smulhi.u32 $0xCCCCCCCD, s26;
	s0 =	sand.u32 $0xFC, s0;
	[tilespmem:v18+s29+$0x0] =	vst.idx.msk $0xffff, v15;
	v9 =	vld.idx.msk [tilespmem:v4+s24+$0x50 ss:$0x1], $0xffff;
	v16 =	vadd.s32 v1, v11  }
0x36: {  	v18 =	vld.idx.msk [tilespmem:v4+s24+$0x70 ss:$0x1], $0xffff;
	s0 =	sshrl.u32 s0, $0x2;
	v15 =	vadd.s32 v2, v11;
	[tilespmem:v6+s29+$0x0] =	vst.idx.msk $0xffff, v17;
	v17 =	vadd.s32 v3, v11;
	v11 =	vmov s28  }
0x37: {  	s1 =	sshrl.u32 s11, $0x2;
	[tilespmem:v5+s29+$0x0] =	vst.idx.msk $0xffff, v12;
	s0 =	smul.u32 $0x7, s0;
	v5 =	vld.idx.msk [tilespmem:v4+s24+$0x90 ss:$0x1], $0xffff;
	v19 =	vand.u32 $0x7E, v11  }
0x38: {  	s1 =	smul.u32 $0xFFFD5800, s1;
	v6 =	vld.idx.msk [tilespmem:v4+s24+$0x80 ss:$0x1], $0xffff;
	[tilespmem:v7+s29+$0x0] =	vst.idx.msk $0xffff, v8;
	v12 =	vadd.s32 v0, v19  }
0x39: {  	s0 =	ssub.s32 s26, s0;
	s28 =	simm.s32 $0x7;
	v7 =	vld.idx.msk [tilespmem:v4+s24+$0xA0 ss:$0x1], $0xffff;
	[tilespmem:v13+s29+$0x0] =	vst.idx.msk $0xffff, v10;
	v11 =	vadd.s32 v1, v19  }
0x3a: {  	s31 =	sadd.s32 $0x100, s24;
	s1 =	sshra.s32 s1, $0x2;
	s0 =	sand.u32 $0xFF, s0;
	v8 =	vld.idx.msk [tilespmem:v4+s24+$0xB0 ss:$0x1], $0xffff;
	v10 =	vmov s28;
	v13 =	vadd.s32 v2, v19;
	[tilespmem:v16+s29+$0x0] =	vst.idx.msk $0xffff, v9  }
0x3b: {  	s28 =	sadd.s32 s1, s25;
	s0 =	sshll.u32 s0, $0xD;
	v9 =	vld.idx.msk [tilespmem:v4+s31+$0xC0 ss:$0x1], $0xffff;
	v16 =	vand.u32 $0x7F, v10;
	[tilespmem:v15+s29+$0x0] =	vst.idx.msk $0xffff, v14;
	v15 =	vadd.s32 v3, v19  }
0x3c: {  	s1 =	simm.s32 $0x8;
	s30 =	sadd.s32 $0x6400, s0;
	s0 =	simm.s32 $0x4;
	v10 =	vld.idx.msk [tilespmem:v4+s31+$0xD0 ss:$0x1], $0xffff;
	v14 =	vadd.s32 v0, v16;
	[tilespmem:v17+s29+$0x0] =	vst.idx.msk $0xffff, v18  }
.LBB2_3:
0x3d: {  	p0 =	slt.u32 s1, $0x7C;
	v17 =	vld.idx.msk [tilespmem:v4+s31+$0xE0 ss:$0x1], $0xffff;
	v18 =	vadd.s32 v1, v16;
	[tilespmem:v12+s29+$0x0] =	vst.idx.msk $0xffff, v6  }
0x3e: {  	v6 =	vmov s0;
	v19 =	vadd.s32 v2, v16;
	v12 =	vld.idx.msk [tilespmem:v4+s31+$0xF0 ss:$0x1], $0xffff;
	[tilespmem:v11+s29+$0x0] =	vst.idx.msk $0xffff, v5  }
0x3f: {  	v6 =	vand.u32 $0x7C, v6;
	v11 =	vadd.s32 v3, v16;
	v5 =	vld.idx.msk [tilespmem:v4+s31+$0x0 ss:$0x1], $0xffff;
	[tilespmem:v13+s29+$0x0] =	vst.idx.msk $0xffff, v7  }
0x40: {  	v13 =	vadd.s32 v0, v6;
	v7 =	vld.idx.msk [tilespmem:v4+s31+$0x10 ss:$0x1], $0xffff;
	[tilespmem:v15+s29+$0x0] =	vst.idx.msk $0xffff, v8  }
0x41: {  	s10 =	sadd.s32 $0x1, s0;
	v15 =	vadd.s32 v1, v6;
	v8 =	vld.idx.msk [tilespmem:v4+s31+$0x20 ss:$0x1], $0xffff;
	[tilespmem:v14+s29+$0x0] =	vst.idx.msk $0xffff, v9  }
0x42: {  	v16 =	vmov s10;
	v14 =	vadd.s32 v2, v6;
	v9 =	vld.idx.msk [tilespmem:v4+s31+$0x30 ss:$0x1], $0xffff;
	[tilespmem:v18+s29+$0x0] =	vst.idx.msk $0xffff, v10  }
0x43: {  	v10 =	vadd.s32 v3, v6;
	v6 =	vand.u32 $0x7D, v16;
	v18 =	vld.idx.msk [tilespmem:v4+s31+$0x40 ss:$0x1], $0xffff;
	[tilespmem:v19+s29+$0x0] =	vst.idx.msk $0xffff, v17  }
0x44: {  	v17 =	vadd.s32 v0, v6;
	v16 =	vld.idx.msk [tilespmem:v4+s31+$0x50 ss:$0x1], $0xffff;
	[tilespmem:v11+s29+$0x0] =	vst.idx.msk $0xffff, v12  }
0x45: {  	s10 =	sadd.s32 $0x2, s0;
	s0 =	smov.u32 s1;
	[tilespmem:v13+s29+$0x0] =	vst.idx.msk $0xffff, v5;
	v19 =	vld.idx.msk [tilespmem:v4+s31+$0x60 ss:$0x1], $0xffff;
	v13 =	vadd.s32 v1, v6  }
0x46: {  	v5 =	vmov s10;
	[tilespmem:v15+s29+$0x0] =	vst.idx.msk $0xffff, v7;
	v20 =	vld.idx.msk [tilespmem:v4+s31+$0x70 ss:$0x1], $0xffff;
	v15 =	vadd.s32 v2, v6  }
0x47: {  	v21 =	vadd.s32 v3, v6;
	[tilespmem:v14+s29+$0x0] =	vst.idx.msk $0xffff, v8;
	v6 =	vld.idx.msk [tilespmem:v4+s31+$0x80 ss:$0x1], $0xffff;
	v14 =	vand.u32 $0x7E, v5  }
.Ltmp0:
0x48: {  	[tilespmem:v10+s29+$0x0] =	vst.idx.msk $0xffff, v9;
	v5 =	vld.idx.msk [tilespmem:v4+s31+$0x90 ss:$0x1], $0xffff;
	v12 =	vadd.s32 v0, v14;
	(pc) =	sbr.rel @p0 .LBB2_3-.Ltmp0, $4  }
0x49: {  	s10 =	sadd.s32 $0x3, s1;
	v11 =	vadd.s32 v1, v14;
	[tilespmem:v17+s29+$0x0] =	vst.idx.msk $0xffff, v18;
	v7 =	vld.idx.msk [tilespmem:v4+s31+$0xA0 ss:$0x1], $0xffff  }
0x4a: {  	v10 =	vmov s10;
	[tilespmem:v13+s29+$0x0] =	vst.idx.msk $0xffff, v16;
	v8 =	vld.idx.msk [tilespmem:v4+s31+$0xB0 ss:$0x1], $0xffff;
	v13 =	vadd.s32 v2, v14;
	s31 =	sadd.s32 $0x100, s31  }
0x4b: {  	v16 =	vand.u32 $0x7F, v10;
	v9 =	vld.idx.msk [tilespmem:v4+s31+$0xC0 ss:$0x1], $0xffff;
	[tilespmem:v15+s29+$0x0] =	vst.idx.msk $0xffff, v19;
	v15 =	vadd.s32 v3, v14  }
0x4c: {  	s1 =	sadd.s32 $0x4, s1;
	v14 =	vadd.s32 v0, v16;
	v10 =	vld.idx.msk [tilespmem:v4+s31+$0xD0 ss:$0x1], $0xffff;
	[tilespmem:v21+s29+$0x0] =	vst.idx.msk $0xffff, v20  }
0x4d: {  	_ =	sdelay $0x3  }
0x4e: {  	v38 =	vld.idx.msk [tilespmem:v4+s31+$0xE0 ss:$0x1], $0xffff  }
0x4f: {  	v42 =	vld.idx.msk [tilespmem:v4+s31+$0x0 ss:$0x1], $0xffff  }
0x50: {  	v17 =	vadd.s32 v1, v16;
	[tilespmem:v12+s29+$0x0] =	vst.idx.msk $0xffff, v6;
	v44 =	vld.idx.msk [tilespmem:v4+s31+$0x10 ss:$0x1], $0xffff  }
0x51: {  	v39 =	vmov s0;
	v18 =	vadd.s32 v2, v16;
	v46 =	vld.idx.msk [tilespmem:v4+s31+$0x20 ss:$0x1], $0xffff;
	[tilespmem:v11+s29+$0x0] =	vst.idx.msk $0xffff, v5  }
0x52: {  	v41 =	vadd.s32 v3, v16;
	s1 =	sadd.s32 $0x1, s0;
	v5 =	vld.idx.msk [tilespmem:v4+s31+$0xF0 ss:$0x1], $0xffff;
	v40 =	vand.u32 $0x7C, v39;
	[tilespmem:v13+s29+$0x0] =	vst.idx.msk $0xffff, v7  }
0x53: {  	v49 =	vld.idx.msk [tilespmem:v4+s31+$0x30 ss:$0x1], $0xffff;
	s11 =	sadd.s32 $0x2, s0;
	v48 =	vmov s1;
	v43 =	vadd.s32 v0, v40;
	[tilespmem:v15+s29+$0x0] =	vst.idx.msk $0xffff, v8  }
0x54: {  	v50 =	vld.idx.msk [tilespmem:v4+s31+$0x40 ss:$0x1], $0xffff;
	v55 =	vmov s11;
	v45 =	vadd.s32 v1, v40;
	v16 =	vand.u32 $0x7D, v48;
	[tilespmem:v14+s29+$0x0] =	vst.idx.msk $0xffff, v9  }
0x55: {  	v53 =	vld.idx.msk [tilespmem:v4+s31+$0x60 ss:$0x1], $0xffff;
	v13 =	vand.u32 $0x7E, v55;
	v51 =	vadd.s32 v0, v16;
	[tilespmem:v17+s29+$0x0] =	vst.idx.msk $0xffff, v10  }
0x56: {  	v58 =	vld.idx.msk [tilespmem:v4+s31+$0x80 ss:$0x1], $0xffff;
	v59 =	vadd.s32 v0, v13;
	[tilespmem:v18+s29+$0x0] =	vst.idx.msk $0xffff, v38  }
0x57: {  	v56 =	vld.idx.msk [tilespmem:v4+s31+$0x70 ss:$0x1], $0xffff;
	v47 =	vadd.s32 v2, v40;
	[tilespmem:v41+s29+$0x0] =	vst.idx.msk $0xffff, v5  }
0x58: {  	v52 =	vadd.s32 v1, v16;
	v5 =	vld.idx.msk [tilespmem:v4+s31+$0x50 ss:$0x1], $0xffff;
	[tilespmem:v43+s29+$0x0] =	vst.idx.msk $0xffff, v42  }
0x59: {  	v60 =	vld.idx.msk [tilespmem:v4+s31+$0x90 ss:$0x1], $0xffff;
	v61 =	vadd.s32 v1, v13;
	[tilespmem:v45+s29+$0x0] =	vst.idx.msk $0xffff, v44  }
0x5a: {  	v62 =	vld.idx.msk [tilespmem:v4+s31+$0xA0 ss:$0x1], $0xffff;
	v11 =	vadd.s32 v3, v40;
	[tilespmem:v51+s29+$0x0] =	vst.idx.msk $0xffff, v50  }
0x5b: {  	v54 =	vadd.s32 v2, v16;
	v4 =	vld.idx.msk [tilespmem:v4+s31+$0xB0 ss:$0x1], $0xffff;
	[tilespmem:v59+s29+$0x0] =	vst.idx.msk $0xffff, v58  }
0x5c: {  	v57 =	vadd.s32 v3, v16;
	[tilespmem:v47+s29+$0x0] =	vst.idx.msk $0xffff, v46  }
0x5d: {  	[tilespmem:v52+s29+$0x0] =	vst.idx.msk $0xffff, v5;
	v5 =	vadd.s32 v2, v13  }
0x5e: {  	v63 =	vadd.s32 v3, v13;
	[tilespmem:v61+s29+$0x0] =	vst.idx.msk $0xffff, v60  }
0x5f: {  	[tilespmem:v11+s29+$0x0] =	vst.idx.msk $0xffff, v49  }
0x60: {  	p0 =	sgt.u32 s26, $0xC0;
	[tilespmem:v54+s29+$0x0] =	vst.idx.msk $0xffff, v53  }
0x61: {  	s0 =	sshll.u32 @!p0 s26, $0x7;
	[tilespmem:v57+s29+$0x0] =	vst.idx.msk $0xffff, v56  }
0x62: {  	s0 =	sand.u32 @!p0 $0x3FFFFF80, s0;
	[tilespmem:v5+s29+$0x0] =	vst.idx.msk $0xffff, v62  }
0x63: {  	s1 =	simm.s32 @!p0 $0x80;
	s0 =	sadd.s32 @!p0 $0x380, s0;
	[tilespmem:v63+s29+$0x0] =	vst.idx.msk $0xffff, v4  }
0x64: {  	[tilespmem:s30], [sflag:$0x1] =	stream.indirect.gather @!p0 [hbm4b:s4+s1], $0x40, s0, s1, $0xb8;
	[tilespmem:$0x1EE00] =	vst v63  }
0x65: {  	s1 =	sadd.s32 s5, s26  }
0x66: {  	s10 =	sshll.u32 s1, $0x7  }
0x67: {  	s0 =	sshll.u32 s1, $0xA;
	s1 =	sand.u32 $0xF80, s10  }
0x68: {  	s0 =	sand.u32 $0xFFF8000, s0;
	s1 =	sadd.s32 s2, s1  }
0x69: {  	s10 =	sadd.s32 $0x0, s28;
	s0 =	sadd.s32 s0, s1  }
0x6a: {  	[hbm4b:s0+s3] =	stream.linear.scatter [tilespmem:s10], [sflag:$0x2], $0x80, $0x38;
	[tilespmem:$0x1EE00] =	vst v63  }
0x6b: {  	s11 =	sadd.s32 $0x88, s10;
	s29 =	sadd.s32 $0x10, s0  }
0x6c: {  	[hbm4b:s29+s3] =	stream.linear.scatter [tilespmem:s11], [sflag:$0x2], $0x80, $0x38;
	[tilespmem:$0x1EE00] =	vst v63  }
0x6d: {  	s11 =	sadd.s32 $0x110, s10;
	s29 =	sadd.s32 $0x20, s0  }
0x6e: {  	[hbm4b:s29+s3] =	stream.linear.scatter [tilespmem:s11], [sflag:$0x2], $0x80, $0x38;
	[tilespmem:$0x1EE00] =	vst v63  }
0x6f: {  	s11 =	sadd.s32 $0x198, s10;
	s29 =	sadd.s32 $0x30, s0  }
0x70: {  	[hbm4b:s29+s3] =	stream.linear.scatter [tilespmem:s11], [sflag:$0x2], $0x80, $0x38;
	[tilespmem:$0x1EE00] =	vst v63  }
0x71: {  	s11 =	sadd.s32 $0x220, s10;
	s29 =	sadd.s32 $0x40, s0  }
0x72: {  	[hbm4b:s29+s3] =	stream.linear.scatter [tilespmem:s11], [sflag:$0x2], $0x80, $0x38;
	[tilespmem:$0x1EE00] =	vst v63  }
0x73: {  	s30 =	sadd.s32 $0x3B8, s10;
	s11 =	sadd.s32 $0x2A8, s10;
	s29 =	sadd.s32 $0x50, s0  }
0x74: {  	[hbm4b:s29+s3] =	stream.linear.scatter [tilespmem:s11], [sflag:$0x2], $0x80, $0x38;
	[tilespmem:$0x1EE00] =	vst v63  }
0x75: {  	s1 =	simm.s32 $0x440;
	s11 =	sadd.s32 $0x330, s10;
	s29 =	sadd.s32 $0x60, s0  }
0x76: {  	[hbm4b:s29+s3] =	stream.linear.scatter [tilespmem:s11], [sflag:$0x2], $0x80, $0x38;
	[tilespmem:$0x1EE00] =	vst v63  }
0x77: {  	s31 =	sadd.s32 $0x70, s0;
	s0 =	sadd.s32 $0x1000, s0;
	s29 =	simm.s32 $0x2200  }
.LBB2_5:
0x78: {  	[hbm4b:s31+s3] =	stream.linear.scatter [tilespmem:s30], [sflag:$0x2], $0x80, $0x38;
	[tilespmem:$0x1EE00] =	vst v63  }
0x79: {  	s10 =	smov.u32 s29  }
0x7a: {  	s11 =	sadd.s32 $0x1100, s29;
	s30 =	sadd.s32 s1, s28;
	s1 =	sshra.s32 s10, $0x2  }
0x7b: {  	[hbm4b:s0+s3] =	stream.linear.scatter [tilespmem:s30], [sflag:$0x2], $0x80, $0x38;
	[tilespmem:$0x1EE00] =	vst v63  }
0x7c: {  	p0 =	sne.s32 s29, $0x7700;
	s29 =	sadd.s32 $0x10, s0;
	s10 =	sadd.s32 $0x88, s30  }
0x7d: {  	[hbm4b:s29+s3] =	stream.linear.scatter [tilespmem:s10], [sflag:$0x2], $0x80, $0x38;
	[tilespmem:$0x1EE00] =	vst v63  }
0x7e: {  	s10 =	sadd.s32 $0x110, s30;
	s29 =	sadd.s32 $0x20, s0  }
0x7f: {  	[hbm4b:s29+s3] =	stream.linear.scatter [tilespmem:s10], [sflag:$0x2], $0x80, $0x38;
	[tilespmem:$0x1EE00] =	vst v63  }
0x80: {  	s10 =	sadd.s32 $0x198, s30;
	s29 =	sadd.s32 $0x30, s0  }
0x81: {  	[hbm4b:s29+s3] =	stream.linear.scatter [tilespmem:s10], [sflag:$0x2], $0x80, $0x38;
	[tilespmem:$0x1EE00] =	vst v63  }
0x82: {  	s10 =	sadd.s32 $0x220, s30;
	s29 =	sadd.s32 $0x40, s0  }
0x83: {  	[hbm4b:s29+s3] =	stream.linear.scatter [tilespmem:s10], [sflag:$0x2], $0x80, $0x38;
	[tilespmem:$0x1EE00] =	vst v63  }
.Ltmp1:
0x84: {  	s10 =	sadd.s32 $0x2A8, s30;
	s29 =	sadd.s32 $0x50, s0;
	(pc) =	sbr.rel @p0 .LBB2_5-.Ltmp1, $4  }
0x85: {  	[hbm4b:s29+s3] =	stream.linear.scatter [tilespmem:s10], [sflag:$0x2], $0x80, $0x38;
	[tilespmem:$0x1EE00] =	vst v63  }
0x86: {  	s31 =	sadd.s32 $0x70, s0;
	s10 =	sadd.s32 $0x330, s30;
	s29 =	sadd.s32 $0x60, s0  }
0x87: {  	[hbm4b:s29+s3] =	stream.linear.scatter [tilespmem:s10], [sflag:$0x2], $0x80, $0x38;
	[tilespmem:$0x1EE00] =	vst v63  }
0x88: {  	s30 =	sadd.s32 $0x3B8, s30;
	s0 =	sadd.s32 $0x1000, s0;
	s29 =	smov.u32 s11  }
0x89: {  	[hbm4b:s31+s3] =	stream.linear.scatter [tilespmem:s30], [sflag:$0x2], $0x80, $0x38;
	[tilespmem:$0x1EE00] =	vst v63  }
0x8a: {  	s1 =	sadd.s32 s1, s28  }
0x8b: {  	[hbm4b:s0+s3] =	stream.linear.scatter [tilespmem:s1], [sflag:$0x2], $0x80, $0x38;
	[tilespmem:$0x1EE00] =	vst v63  }
0x8c: {  	s11 =	sadd.s32 $0x10, s0;
	s10 =	sadd.s32 $0x88, s1  }
0x8d: {  	[hbm4b:s11+s3] =	stream.linear.scatter [tilespmem:s10], [sflag:$0x2], $0x80, $0x38;
	[tilespmem:$0x1EE00] =	vst v63  }
0x8e: {  	s31 =	sadd.s32 $0x20, s0;
	s30 =	sadd.s32 $0x110, s1  }
0x8f: {  	[hbm4b:s31+s3] =	stream.linear.scatter [tilespmem:s30], [sflag:$0x2], $0x80, $0x38;
	[tilespmem:$0x1EE00] =	vst v63  }
0x90: {  	s29 =	sadd.s32 $0x30, s0;
	s28 =	sadd.s32 $0x198, s1  }
0x91: {  	[hbm4b:s29+s3] =	stream.linear.scatter [tilespmem:s28], [sflag:$0x2], $0x80, $0x38;
	[tilespmem:$0x1EE00] =	vst v63  }
0x92: {  	s26 =	sadd.s32 $0x1, s26;
	s30 =	sadd.s32 $0x220, s1;
	s31 =	sadd.s32 $0x40, s0  }
0x93: {  	[hbm4b:s31+s3] =	stream.linear.scatter [tilespmem:s30], [sflag:$0x2], $0x80, $0x38;
	[tilespmem:$0x1EE00] =	vst v63  }
0x94: {  	p0 =	sne.s32 s26, $0xC8;
	s11 =	sadd.s32 $0x2A8, s1;
	s28 =	sadd.s32 $0x50, s0  }
0x95: {  	[hbm4b:s28+s3] =	stream.linear.scatter [tilespmem:s11], [sflag:$0x2], $0x80, $0x38;
	[tilespmem:$0x1EE00] =	vst v63  }
.Ltmp2:
0x96: {  	_ = 	snop;
	(pc) =	sbr.rel @p0 .LBB2_2-.Ltmp2, $4  }
0x97: {  	s24 =	sadd.s32 $0x2000, s24;
	s29 =	sadd.s32 $0x330, s1;
	s30 =	sadd.s32 $0x60, s0  }
0x98: {  	[hbm4b:s30+s3] =	stream.linear.scatter [tilespmem:s29], [sflag:$0x2], $0x80, $0x38;
	[tilespmem:$0x1EE00] =	vst v63  }
0x99: {  	s25 =	sadd.s32 $0x2200, s25;
	s1 =	sadd.s32 $0x3B8, s1;
	s31 =	sadd.s32 $0x70, s0  }
0x9a: {  	[hbm4b:s31+s3] =	stream.linear.scatter [tilespmem:s1], [sflag:$0x2], $0x80, $0x38;
	[tilespmem:$0x1EE00] =	vst v63  }
0x9b: {  	_ =	swait.ge [sflag:s22], $0x2000  }
0x9c: {  	[sflag:s22] =	ssyncset.done $0x0  }
0x9d: {  	[sflag:s22] =	ssyncadd.s32 $0xFFFFE000  }
0x9e: {  	_ =	swait.ge [sflag:s22], $0x2000  }
0x9f: {  	[sflag:s22] =	ssyncset.done $0x0  }
0xa0: {  	[sflag:s22] =	ssyncadd.s32 $0xFFFFE000  }
0xa1: {  	_ =	swait.ge [sflag:s22], $0x2000  }
0xa2: {  	[sflag:s22] =	ssyncset.done $0x0  }
0xa3: {  	s23 =	sadd.s32 $0x1, s23;
	[sflag:s22] =	ssyncadd.s32 $0xFFFFE000  }
0xa4: {  	p0 =	sne.s32 s23, s7;
	_ =	swait.ge [sflag:s22], $0x2000  }
.Ltmp3:
0xa5: {  	[sflag:s22] =	ssyncset.done $0x0;
	(pc) =	sbr.rel @p0 .LBB2_1-.Ltmp3, $4  }
0xa6: {  	[sflag:s22] =	ssyncadd.s32 $0xFFFFE000  }
0xa7: {  	_ =	swait.ge [sflag:s22], $0x2000  }
0xa8: {  	[sflag:s22] =	ssyncset.done $0x0  }
0xa9: {  	[sflag:s22] =	ssyncadd.s32 $0xFFFFE000  }
0xaa: {  	_ =	sfence.sel $0x180000  }
0xab: {  	[bflag:$0x0] =	sbarrier.arrive $0xFFFF  }
0xac: {  	_ =	strace $0x90000047  }
0xad: {  	s0 =	stileid.u32;
	[bflag:$0x2] =	sbarrier.arrive $0xFFFF  }
0xae: {  	p0 =	sne.s32 s0, $0x0;
	s0 =	rddreg [dreg:$0x3]  }
0xaf: {  	s0 =	sadd.s32 @!p0 $0x100000, s0  }
0xb0: {  	[sflag:s0] =	ssyncadd.tile.s32 @!p0 $0x1;
	_ =	shalt  }
.Lfunc_end2:
_tile_overlayer_lowered:
.L_overlay_start_2:
0xb1: {  	(tag) =	ssettag $0x2  }
0xb2: {  	s0 =	rddreg [dreg:$0x0];
	s2 =	stileid.u32  }
0xb3: {  	s1 =	rddreg [dreg:$0x1];
	p0 =	sne.s32 s2, $0x0  }
0xb4: {  	s3 =	rddreg [dreg:$0x2];
	[bflag:$0x3] =	sbarrier.arrive $0xFFFF;
	s2 =	simm.s32 @!p0 $0x1C03  }
0xb5: {  	[timem:s3], [sflag:s2] =	dma.local @!p0 [hbm:s0], s1  }
0xb6: {  	s0 =	simm.s32 @!p0 $0x3  }
0xb7: {  	_ =	swait.ge @!p0 [sflag:s0], s1  }
0xb8: {  	s1 =	ssub.s32 @!p0 $0x0, s1;
	[sflag:s0] =	ssyncset.done @!p0 $0x0  }
0xb9: {  	[sflag:s0] =	ssyncadd.s32 @!p0 s1  }
0xba: {  	[bflag:$0x3] =	sbarrier.arrive $0xFFFF  }
0xbb: {  	_ =	shalt  }

</sc_bundles>
